<compile_context>
chip_gen: v7x
topology: tpu7x:2x2x1
jax: 0.10.2.dev20260603
libtpu: 0.0.44.dev20260713+nightly
codegen_flags: <defaults>
</compile_context>

<pallas_src>
import dataclasses
import functools

import jax
import jax.numpy as jnp
from jax import lax
from jax.experimental import pallas as pl
from jax.experimental.pallas import tpu as pltpu
from jax.experimental.pallas import tpu_sc as plsc


@functools.lru_cache(maxsize=None)
def _lens_sc_kernel(L, B):
    info = plsc.get_sparse_core_info()
    NC, NS, LN = info.num_cores, info.num_subcores, info.num_lanes
    NW = NC * NS
    b_per_w = B // NW
    groups = b_per_w // LN

    mesh = plsc.VectorSubcoreMesh(core_axis_name="c", subcore_axis_name="s")
    cp = pltpu.CompilerParams(use_tc_tiling_on_sc=True)
    if "needs_layout_passes" in pltpu.CompilerParams.__dataclass_fields__:
        cp = dataclasses.replace(cp, needs_layout_passes=False)

    @functools.partial(
        pl.kernel,
        out_type=(jax.ShapeDtypeStruct((B,), jnp.int32),
                  jax.ShapeDtypeStruct((NW * LN,), jnp.int32),
                  jax.ShapeDtypeStruct((NW * LN,), jnp.int32)),
        mesh=mesh,
        compiler_params=cp,
        scratch_types=[
            pltpu.VMEM((L, b_per_w), jnp.int32),
            pltpu.VMEM((b_per_w,), jnp.int32),
            pltpu.VMEM((LN,), jnp.int32),
            pltpu.VMEM((LN,), jnp.int32),
            pltpu.SemaphoreType.DMA,
        ],
    )
    def k(maskt_hbm, adj_hbm, min_hbm, max_hbm, mask_v, adj_v, min_v, max_v,
          semm):
        wid = lax.axis_index("s") * NC + lax.axis_index("c")
        b0 = wid * b_per_w
        pltpu.async_copy(maskt_hbm.at[:, pl.ds(b0, b_per_w)], mask_v,
                         semm).wait()
        vmin = jnp.zeros((LN,), jnp.int32) + (L - 1)
        vmax = jnp.zeros((LN,), jnp.int32)
        for g in range(groups):
            def step(l, acc, g=g):
                return acc + mask_v[l, pl.ds(g * LN, LN)]

            lens = lax.fori_loop(0, L, step, jnp.zeros((LN,), jnp.int32))
            adj = jnp.maximum(lens - 1, 0)
            adj_v[pl.ds(g * LN, LN)] = adj
            vmin = jnp.minimum(vmin, adj)
            vmax = jnp.maximum(vmax, adj)
        min_v[...] = vmin
        max_v[...] = vmax
        pltpu.sync_copy(adj_v, adj_hbm.at[pl.ds(b0, b_per_w)])
        pltpu.sync_copy(min_v, min_hbm.at[pl.ds(wid * LN, LN)])
        pltpu.sync_copy(max_v, max_hbm.at[pl.ds(wid * LN, LN)])

    return k


@functools.lru_cache(maxsize=None)
def _select_tc_kernel(L, D, B):
    LB = 8
    BB = 2048
    nl = L // LB
    nb = B // BB

    def body(lmap_ref, adj_ref, tok_ref, out_ref, acc_ref):
        li = pl.program_id(1)
        bi = pl.program_id(0)

        @pl.when(li == 0)
        def _():
            acc_ref[0:D, :] = tok_ref[0]
            acc_ref[D:2 * D, :] = jnp.zeros((D, BB), jnp.float32)

        cur = lmap_ref[bi * nl + li]
        prev = lmap_ref[bi * nl + jnp.maximum(li - 1, 0)]
        @pl.when((li == 0) | (cur != prev))
        def _():
            adjb = adj_ref[0, :]
            acc = acc_ref[D:2 * D, :]
            lt = cur * LB
            for s in range(LB):
                sel = (adjb == lt + s)[None, :]
                acc = jnp.where(sel, tok_ref[s], acc)
            acc_ref[D:2 * D, :] = acc

        @pl.when(li == nl - 1)
        def _():
            out_ref[...] = acc_ref[...].T

    grid_spec = pltpu.PrefetchScalarGridSpec(
        num_scalar_prefetch=1,
        grid=(nb, nl),
        in_specs=[
            pl.BlockSpec((1, BB), lambda b, l, lm: (0, b)),
            pl.BlockSpec((LB, D, BB), lambda b, l, lm: (lm[b * nl + l], 0, b)),
        ],
        out_specs=pl.BlockSpec((BB, 2 * D), lambda b, l, lm: (b, 0)),
        scratch_shapes=[pltpu.VMEM((2 * D, BB), jnp.float32)],
    )
    return pl.pallas_call(
        body,
        grid_spec=grid_spec,
        out_shape=jax.ShapeDtypeStruct((B, 2 * D), jnp.float32),
        compiler_params=pltpu.CompilerParams(
            dimension_semantics=("parallel", "arbitrary")),
    )


def kernel(mask, embedded_tokens):
    B, L, D = embedded_tokens.shape
    LB, BB = 8, 2048
    nl, nb = L // LB, B // BB
    maskt = mask.astype(jnp.int32).T
    tokt = jnp.transpose(embedded_tokens, (1, 2, 0))
    adj, vmin, vmax = _lens_sc_kernel(L, B)(maskt)
    wmin = vmin.reshape(-1, 16).min(axis=1)
    wmax = vmax.reshape(-1, 16).max(axis=1)
    w_per_b = wmin.shape[0] // nb
    lminb = wmin.reshape(nb, w_per_b).min(axis=1) // LB
    lmaxb = wmax.reshape(nb, w_per_b).max(axis=1) // LB
    j = jnp.arange(nl, dtype=jnp.int32)
    lstart = jnp.maximum(lminb, 1)
    lmap = jnp.where(j[None, :] == 0, 0,
                     jnp.minimum(lstart[:, None] + (j[None, :] - 1),
                                 lmaxb[:, None])).astype(jnp.int32)
    return _select_tc_kernel(L, D, B)(lmap.reshape(-1), adj.reshape(1, B),
                                      tokt)

# --- scband reference (transcript-rebuilt; emitter-appended) ---
"""Pipeline reference for scband-fixed-length-embedding-17016660427067 (READ-ONLY COPY).

The authoritative reference and input builder live on the scoring server;
editing this copy changes nothing except your own understanding.
"""

import jax, jax.numpy as jnp
import numpy as np

B = 16384
L = 200
D = 64

def setup_inputs(seed: int = 0) -> dict:
    key = jax.random.key(seed)
    k1, k2 = jax.random.split(key)
    mask = jax.random.randint(k1, (B, L), 0, 2, dtype=jnp.int64) if jax.config.jax_enable_x64 else jax.random.randint(k1, (B, L), 0, 2, dtype=jnp.int32).astype(jnp.int32)
    embedded_tokens = jax.random.normal(k2, (B, L, D), dtype=jnp.float32)
    return {"mask": mask, "embedded_tokens": embedded_tokens}

def reference(mask, embedded_tokens):
    # sequence lengths from mask
    sequence_lengths = mask.sum(axis=1)
    # first token embedding
    embedded_first_tokens = embedded_tokens[:, 0, :]
    # last-valid-token index, clamped at 0 (mirrors stack+max with zeros)
    indices = sequence_lengths - 1
    zeros = jnp.zeros_like(indices)
    adjusted_indices = jnp.maximum(indices, zeros)
    # batched index select: embedded_tokens[i, adjusted_indices[i], :]
    b = embedded_tokens.shape[0]
    embedded_last_tokens = embedded_tokens[jnp.arange(b), adjusted_indices, :]
    return jnp.concatenate((embedded_first_tokens, embedded_last_tokens), axis=1)

if __name__ == "__main__":
    import jax
    _d = setup_inputs()
    print(jax.jit(kernel)(*tuple(_d.values())))

</pallas_src>

<mosaic_0001>
#map = affine_map<(d0, d1) -> (0, 0)>
#map1 = affine_map<(d0, d1) -> (0)>
module attributes {stable_mosaic.version = 14 : i64} {
  func.func @k(%arg0: i32, %arg1: i32, %arg2: memref<200x16384xi32, #tpu.memory_space<hbm>>, %arg3: memref<16384xi32, #tpu.memory_space<hbm>>, %arg4: memref<512xi32, #tpu.memory_space<hbm>>, %arg5: memref<512xi32, #tpu.memory_space<hbm>>, %arg6: memref<200x512xi32, #tpu.memory_space<vmem>>, %arg7: memref<512xi32, #tpu.memory_space<vmem>>, %arg8: memref<16xi32, #tpu.memory_space<vmem>>, %arg9: memref<16xi32, #tpu.memory_space<vmem>>, %arg10: memref<!tpu.dma_semaphore, #tpu.memory_space<semaphore_mem>>) attributes {dimension_semantics = [#tpu.dimension_semantics<core_parallel>, #tpu.dimension_semantics<subcore_parallel>], iteration_bounds = array<i64: 2, 16>, scalar_prefetch = 0 : i64, scratch_operands = 5 : i64, tpu.core_type = #tpu.core_type<sc_vector_subcore>, window_params = [{transform_indices = #map}, {transform_indices = #map1}, {transform_indices = #map1}, {transform_indices = #map1}]} {
    %mul3A = arith.constant 2 : i32
    %mul3A_0 = arith.muli %arg1, %mul3A : i32
    %add3A = arith.addi %mul3A_0, %arg0 : i32
    %mul3A_1 = arith.constant 512 : i32
    %mul3A_2 = arith.muli %add3A, %mul3A_1 : i32
    %dma_start3A = arith.constant 0 : i32
    %dma_start3A_3 = tpu.memref_slice %arg2[%dma_start3A, %mul3A_2] : memref<200x16384xi32, #tpu.memory_space<hbm>> -> memref<200x512xi32, #tpu.memory_space<hbm>>
    %dma_start3A_4 = arith.constant 0 : i32
    %dma_start3A_5 = tpu.memref_slice %arg2[%dma_start3A_4, %mul3A_2] : memref<200x16384xi32, #tpu.memory_space<hbm>> -> memref<200x512xi32, #tpu.memory_space<hbm>>
    tpu.enqueue_dma source(%dma_start3A_5 : memref<200x512xi32, #tpu.memory_space<hbm>>) target(%arg6 : memref<200x512xi32, #tpu.memory_space<vmem>>) target_semaphore(%arg10 : memref<!tpu.dma_semaphore, #tpu.memory_space<semaphore_mem>>)
    %dma_wait3A = arith.constant 0 : i32
    %dma_wait3A_6 = tpu.memref_slice %arg2[%dma_wait3A, %mul3A_2] : memref<200x16384xi32, #tpu.memory_space<hbm>> -> memref<200x512xi32, #tpu.memory_space<hbm>>
    %dma_wait3A_7 = arith.constant 0 : i32
    %dma_wait3A_8 = tpu.memref_slice %arg2[%dma_wait3A_7, %mul3A_2] : memref<200x16384xi32, #tpu.memory_space<hbm>> -> memref<200x512xi32, #tpu.memory_space<hbm>>
    tpu.wait_dma2 semaphore(%arg10 : memref<!tpu.dma_semaphore, #tpu.memory_space<semaphore_mem>>) src(%dma_wait3A_8 : memref<200x512xi32, #tpu.memory_space<hbm>>) dst(%arg6 : memref<200x512xi32, #tpu.memory_space<vmem>>)
    %broadcast_in_dim3A = arith.constant 0 : i32
    %broadcast_in_dim3A_9 = vector.broadcast %broadcast_in_dim3A : i32 to vector<16xi32>
    %add3A_10 = arith.constant 199 : i32
    %add3A_11 = vector.broadcast %add3A_10 : i32 to vector<16xi32>
    %add3A_12 = arith.addi %broadcast_in_dim3A_9, %add3A_11 : vector<16xi32>
    %broadcast_in_dim3A_13 = arith.constant 0 : i32
    %broadcast_in_dim3A_14 = vector.broadcast %broadcast_in_dim3A_13 : i32 to vector<16xi32>
    %broadcast_in_dim3A_15 = arith.constant 0 : i32
    %broadcast_in_dim3A_16 = vector.broadcast %broadcast_in_dim3A_15 : i32 to vector<16xi32>
    %scan3A = arith.constant 0 : i32
    %scan3A_17 = arith.constant 200 : i32
    %scan3A_18 = arith.addi %scan3A, %scan3A_17 : i32
    %scan3A_19 = arith.constant 1 : i32
    %scan3A_20 = scf.for %scan3A_594 = %scan3A to %scan3A_18 step %scan3A_19 iter_args(%scan3A_595 = %broadcast_in_dim3A_16) -> (vector<16xi32>)  : i32 {
      %get3A = arith.index_cast %scan3A_594 : i32 to index
      %get3A_596 = arith.constant 0 : index
      %get3A_597 = tpu.vector_load %arg6[%get3A, %get3A_596] {strides = array<i32>} : memref<200x512xi32, #tpu.memory_space<vmem>>, vector<16xi32>,
      %add3A_598 = arith.addi %scan3A_595, %get3A_597 : vector<16xi32>
      scf.yield %add3A_598 : vector<16xi32>
    }
    %scan3A_21 = arith.constant 200 : i32
    %sub3A = arith.constant 1 : i32
    %sub3A_22 = vector.broadcast %sub3A : i32 to vector<16xi32>
    %sub3A_23 = arith.subi %scan3A_20, %sub3A_22 : vector<16xi32>
    %max3A = arith.constant 0 : i32
    %max3A_24 = vector.broadcast %max3A : i32 to vector<16xi32>
    %max3A_25 = arith.maxsi %sub3A_23, %max3A_24 : vector<16xi32>
    %swap3A = arith.constant 0 : index
    %swap3A_26 = tpu.vector_load %arg7[%swap3A] {strides = array<i32>} : memref<512xi32, #tpu.memory_space<vmem>>, vector<16xi32>,
    tpu.vector_store %arg7[%swap3A], %max3A_25 {strides = array<i32>} : memref<512xi32, #tpu.memory_space<vmem>>, vector<16xi32>,
    %min3A = arith.minsi %add3A_12, %max3A_25 : vector<16xi32>
    %max3A_27 = arith.maxsi %broadcast_in_dim3A_14, %max3A_25 : vector<16xi32>
    %broadcast_in_dim3A_28 = arith.constant 0 : i32
    %broadcast_in_dim3A_29 = vector.broadcast %broadcast_in_dim3A_28 : i32 to vector<16xi32>
    %scan3A_30 = arith.constant 0 : i32
    %scan3A_31 = arith.constant 200 : i32
    %scan3A_32 = arith.addi %scan3A_30, %scan3A_31 : i32
    %scan3A_33 = arith.constant 1 : i32
    %scan3A_34 = scf.for %scan3A_594 = %scan3A_30 to %scan3A_32 step %scan3A_33 iter_args(%scan3A_595 = %broadcast_in_dim3A_29) -> (vector<16xi32>)  : i32 {
      %get3A = arith.index_cast %scan3A_594 : i32 to index
      %get3A_596 = arith.constant 16 : index
      %get3A_597 = tpu.vector_load %arg6[%get3A, %get3A_596] {strides = array<i32>} : memref<200x512xi32, #tpu.memory_space<vmem>>, vector<16xi32>,
      %add3A_598 = arith.addi %scan3A_595, %get3A_597 : vector<16xi32>
      scf.yield %add3A_598 : vector<16xi32>
    }
    %scan3A_35 = arith.constant 200 : i32
    %sub3A_36 = arith.constant 1 : i32
    %sub3A_37 = vector.broadcast %sub3A_36 : i32 to vector<16xi32>
    %sub3A_38 = arith.subi %scan3A_34, %sub3A_37 : vector<16xi32>
    %max3A_39 = arith.constant 0 : i32
    %max3A_40 = vector.broadcast %max3A_39 : i32 to vector<16xi32>
    %max3A_41 = arith.maxsi %sub3A_38, %max3A_40 : vector<16xi32>
    %swap3A_42 = arith.constant 16 : index
    %swap3A_43 = tpu.vector_load %arg7[%swap3A_42] {strides = array<i32>} : memref<512xi32, #tpu.memory_space<vmem>>, vector<16xi32>,
    tpu.vector_store %arg7[%swap3A_42], %max3A_41 {strides = array<i32>} : memref<512xi32, #tpu.memory_space<vmem>>, vector<16xi32>,
    %min3A_44 = arith.minsi %min3A, %max3A_41 : vector<16xi32>
    %max3A_45 = arith.maxsi %max3A_27, %max3A_41 : vector<16xi32>
    %broadcast_in_dim3A_46 = arith.constant 0 : i32
    %broadcast_in_dim3A_47 = vector.broadcast %broadcast_in_dim3A_46 : i32 to vector<16xi32>
    %scan3A_48 = arith.constant 0 : i32
    %scan3A_49 = arith.constant 200 : i32
    %scan3A_50 = arith.addi %scan3A_48, %scan3A_49 : i32
    %scan3A_51 = arith.constant 1 : i32
    %scan3A_52 = scf.for %scan3A_594 = %scan3A_48 to %scan3A_50 step %scan3A_51 iter_args(%scan3A_595 = %broadcast_in_dim3A_47) -> (vector<16xi32>)  : i32 {
      %get3A = arith.index_cast %scan3A_594 : i32 to index
      %get3A_596 = arith.constant 32 : index
      %get3A_597 = tpu.vector_load %arg6[%get3A, %get3A_596] {strides = array<i32>} : memref<200x512xi32, #tpu.memory_space<vmem>>, vector<16xi32>,
      %add3A_598 = arith.addi %scan3A_595, %get3A_597 : vector<16xi32>
      scf.yield %add3A_598 : vector<16xi32>
    }
    %scan3A_53 = arith.constant 200 : i32
    %sub3A_54 = arith.constant 1 : i32
    %sub3A_55 = vector.broadcast %sub3A_54 : i32 to vector<16xi32>
    %sub3A_56 = arith.subi %scan3A_52, %sub3A_55 : vector<16xi32>
    %max3A_57 = arith.constant 0 : i32
    %max3A_58 = vector.broadcast %max3A_57 : i32 to vector<16xi32>
    %max3A_59 = arith.maxsi %sub3A_56, %max3A_58 : vector<16xi32>
    %swap3A_60 = arith.constant 32 : index
    %swap3A_61 = tpu.vector_load %arg7[%swap3A_60] {strides = array<i32>} : memref<512xi32, #tpu.memory_space<vmem>>, vector<16xi32>,
    tpu.vector_store %arg7[%swap3A_60], %max3A_59 {strides = array<i32>} : memref<512xi32, #tpu.memory_space<vmem>>, vector<16xi32>,
    %min3A_62 = arith.minsi %min3A_44, %max3A_59 : vector<16xi32>
    %max3A_63 = arith.maxsi %max3A_45, %max3A_59 : vector<16xi32>
    %broadcast_in_dim3A_64 = arith.constant 0 : i32
    %broadcast_in_dim3A_65 = vector.broadcast %broadcast_in_dim3A_64 : i32 to vector<16xi32>
    %scan3A_66 = arith.constant 0 : i32
    %scan3A_67 = arith.constant 200 : i32
    %scan3A_68 = arith.addi %scan3A_66, %scan3A_67 : i32
    %scan3A_69 = arith.constant 1 : i32
    %scan3A_70 = scf.for %scan3A_594 = %scan3A_66 to %scan3A_68 step %scan3A_69 iter_args(%scan3A_595 = %broadcast_in_dim3A_65) -> (vector<16xi32>)  : i32 {
      %get3A = arith.index_cast %scan3A_594 : i32 to index
      %get3A_596 = arith.constant 48 : index
      %get3A_597 = tpu.vector_load %arg6[%get3A, %get3A_596] {strides = array<i32>} : memref<200x512xi32, #tpu.memory_space<vmem>>, vector<16xi32>,
      %add3A_598 = arith.addi %scan3A_595, %get3A_597 : vector<16xi32>
      scf.yield %add3A_598 : vector<16xi32>
    }
    %scan3A_71 = arith.constant 200 : i32
    %sub3A_72 = arith.constant 1 : i32
    %sub3A_73 = vector.broadcast %sub3A_72 : i32 to vector<16xi32>
    %sub3A_74 = arith.subi %scan3A_70, %sub3A_73 : vector<16xi32>
    %max3A_75 = arith.constant 0 : i32
    %max3A_76 = vector.broadcast %max3A_75 : i32 to vector<16xi32>
    %max3A_77 = arith.maxsi %sub3A_74, %max3A_76 : vector<16xi32>
    %swap3A_78 = arith.constant 48 : index
    %swap3A_79 = tpu.vector_load %arg7[%swap3A_78] {strides = array<i32>} : memref<512xi32, #tpu.memory_space<vmem>>, vector<16xi32>,
    tpu.vector_store %arg7[%swap3A_78], %max3A_77 {strides = array<i32>} : memref<512xi32, #tpu.memory_space<vmem>>, vector<16xi32>,
    %min3A_80 = arith.minsi %min3A_62, %max3A_77 : vector<16xi32>
    %max3A_81 = arith.maxsi %max3A_63, %max3A_77 : vector<16xi32>
    %broadcast_in_dim3A_82 = arith.constant 0 : i32
    %broadcast_in_dim3A_83 = vector.broadcast %broadcast_in_dim3A_82 : i32 to vector<16xi32>
    %scan3A_84 = arith.constant 0 : i32
    %scan3A_85 = arith.constant 200 : i32
    %scan3A_86 = arith.addi %scan3A_84, %scan3A_85 : i32
    %scan3A_87 = arith.constant 1 : i32
    %scan3A_88 = scf.for %scan3A_594 = %scan3A_84 to %scan3A_86 step %scan3A_87 iter_args(%scan3A_595 = %broadcast_in_dim3A_83) -> (vector<16xi32>)  : i32 {
      %get3A = arith.index_cast %scan3A_594 : i32 to index
      %get3A_596 = arith.constant 64 : index
      %get3A_597 = tpu.vector_load %arg6[%get3A, %get3A_596] {strides = array<i32>} : memref<200x512xi32, #tpu.memory_space<vmem>>, vector<16xi32>,
      %add3A_598 = arith.addi %scan3A_595, %get3A_597 : vector<16xi32>
      scf.yield %add3A_598 : vector<16xi32>
    }
    %scan3A_89 = arith.constant 200 : i32
    %sub3A_90 = arith.constant 1 : i32
    %sub3A_91 = vector.broadcast %sub3A_90 : i32 to vector<16xi32>
    %sub3A_92 = arith.subi %scan3A_88, %sub3A_91 : vector<16xi32>
    %max3A_93 = arith.constant 0 : i32
    %max3A_94 = vector.broadcast %max3A_93 : i32 to vector<16xi32>
    %max3A_95 = arith.maxsi %sub3A_92, %max3A_94 : vector<16xi32>
    %swap3A_96 = arith.constant 64 : index
    %swap3A_97 = tpu.vector_load %arg7[%swap3A_96] {strides = array<i32>} : memref<512xi32, #tpu.memory_space<vmem>>, vector<16xi32>,
    tpu.vector_store %arg7[%swap3A_96], %max3A_95 {strides = array<i32>} : memref<512xi32, #tpu.memory_space<vmem>>, vector<16xi32>,
    %min3A_98 = arith.minsi %min3A_80, %max3A_95 : vector<16xi32>
    %max3A_99 = arith.maxsi %max3A_81, %max3A_95 : vector<16xi32>
    %broadcast_in_dim3A_100 = arith.constant 0 : i32
    %broadcast_in_dim3A_101 = vector.broadcast %broadcast_in_dim3A_100 : i32 to vector<16xi32>
    %scan3A_102 = arith.constant 0 : i32
    %scan3A_103 = arith.constant 200 : i32
    %scan3A_104 = arith.addi %scan3A_102, %scan3A_103 : i32
    %scan3A_105 = arith.constant 1 : i32
    %scan3A_106 = scf.for %scan3A_594 = %scan3A_102 to %scan3A_104 step %scan3A_105 iter_args(%scan3A_595 = %broadcast_in_dim3A_101) -> (vector<16xi32>)  : i32 {
      %get3A = arith.index_cast %scan3A_594 : i32 to index
      %get3A_596 = arith.constant 80 : index
      %get3A_597 = tpu.vector_load %arg6[%get3A, %get3A_596] {strides = array<i32>} : memref<200x512xi32, #tpu.memory_space<vmem>>, vector<16xi32>,
      %add3A_598 = arith.addi %scan3A_595, %get3A_597 : vector<16xi32>
      scf.yield %add3A_598 : vector<16xi32>
    }
    %scan3A_107 = arith.constant 200 : i32
    %sub3A_108 = arith.constant 1 : i32
    %sub3A_109 = vector.broadcast %sub3A_108 : i32 to vector<16xi32>
    %sub3A_110 = arith.subi %scan3A_106, %sub3A_109 : vector<16xi32>
    %max3A_111 = arith.constant 0 : i32
    %max3A_112 = vector.broadcast %max3A_111 : i32 to vector<16xi32>
    %max3A_113 = arith.maxsi %sub3A_110, %max3A_112 : vector<16xi32>
    %swap3A_114 = arith.constant 80 : index
    %swap3A_115 = tpu.vector_load %arg7[%swap3A_114] {strides = array<i32>} : memref<512xi32, #tpu.memory_space<vmem>>, vector<16xi32>,
    tpu.vector_store %arg7[%swap3A_114], %max3A_113 {strides = array<i32>} : memref<512xi32, #tpu.memory_space<vmem>>, vector<16xi32>,
    %min3A_116 = arith.minsi %min3A_98, %max3A_113 : vector<16xi32>
    %max3A_117 = arith.maxsi %max3A_99, %max3A_113 : vector<16xi32>
    %broadcast_in_dim3A_118 = arith.constant 0 : i32
    %broadcast_in_dim3A_119 = vector.broadcast %broadcast_in_dim3A_118 : i32 to vector<16xi32>
    %scan3A_120 = arith.constant 0 : i32
    %scan3A_121 = arith.constant 200 : i32
    %scan3A_122 = arith.addi %scan3A_120, %scan3A_121 : i32
    %scan3A_123 = arith.constant 1 : i32
    %scan3A_124 = scf.for %scan3A_594 = %scan3A_120 to %scan3A_122 step %scan3A_123 iter_args(%scan3A_595 = %broadcast_in_dim3A_119) -> (vector<16xi32>)  : i32 {
      %get3A = arith.index_cast %scan3A_594 : i32 to index
      %get3A_596 = arith.constant 96 : index
      %get3A_597 = tpu.vector_load %arg6[%get3A, %get3A_596] {strides = array<i32>} : memref<200x512xi32, #tpu.memory_space<vmem>>, vector<16xi32>,
      %add3A_598 = arith.addi %scan3A_595, %get3A_597 : vector<16xi32>
      scf.yield %add3A_598 : vector<16xi32>
    }
    %scan3A_125 = arith.constant 200 : i32
    %sub3A_126 = arith.constant 1 : i32
    %sub3A_127 = vector.broadcast %sub3A_126 : i32 to vector<16xi32>
    %sub3A_128 = arith.subi %scan3A_124, %sub3A_127 : vector<16xi32>
    %max3A_129 = arith.constant 0 : i32
    %max3A_130 = vector.broadcast %max3A_129 : i32 to vector<16xi32>
    %max3A_131 = arith.maxsi %sub3A_128, %max3A_130 : vector<16xi32>
    %swap3A_132 = arith.constant 96 : index
    %swap3A_133 = tpu.vector_load %arg7[%swap3A_132] {strides = array<i32>} : memref<512xi32, #tpu.memory_space<vmem>>, vector<16xi32>,
    tpu.vector_store %arg7[%swap3A_132], %max3A_131 {strides = array<i32>} : memref<512xi32, #tpu.memory_space<vmem>>, vector<16xi32>,
    %min3A_134 = arith.minsi %min3A_116, %max3A_131 : vector<16xi32>
    %max3A_135 = arith.maxsi %max3A_117, %max3A_131 : vector<16xi32>
    %broadcast_in_dim3A_136 = arith.constant 0 : i32
    %broadcast_in_dim3A_137 = vector.broadcast %broadcast_in_dim3A_136 : i32 to vector<16xi32>
    %scan3A_138 = arith.constant 0 : i32
    %scan3A_139 = arith.constant 200 : i32
    %scan3A_140 = arith.addi %scan3A_138, %scan3A_139 : i32
    %scan3A_141 = arith.constant 1 : i32
    %scan3A_142 = scf.for %scan3A_594 = %scan3A_138 to %scan3A_140 step %scan3A_141 iter_args(%scan3A_595 = %broadcast_in_dim3A_137) -> (vector<16xi32>)  : i32 {
      %get3A = arith.index_cast %scan3A_594 : i32 to index
      %get3A_596 = arith.constant 112 : index
      %get3A_597 = tpu.vector_load %arg6[%get3A, %get3A_596] {strides = array<i32>} : memref<200x512xi32, #tpu.memory_space<vmem>>, vector<16xi32>,
      %add3A_598 = arith.addi %scan3A_595, %get3A_597 : vector<16xi32>
      scf.yield %add3A_598 : vector<16xi32>
    }
    %scan3A_143 = arith.constant 200 : i32
    %sub3A_144 = arith.constant 1 : i32
    %sub3A_145 = vector.broadcast %sub3A_144 : i32 to vector<16xi32>
    %sub3A_146 = arith.subi %scan3A_142, %sub3A_145 : vector<16xi32>
    %max3A_147 = arith.constant 0 : i32
    %max3A_148 = vector.broadcast %max3A_147 : i32 to vector<16xi32>
    %max3A_149 = arith.maxsi %sub3A_146, %max3A_148 : vector<16xi32>
    %swap3A_150 = arith.constant 112 : index
    %swap3A_151 = tpu.vector_load %arg7[%swap3A_150] {strides = array<i32>} : memref<512xi32, #tpu.memory_space<vmem>>, vector<16xi32>,
    tpu.vector_store %arg7[%swap3A_150], %max3A_149 {strides = array<i32>} : memref<512xi32, #tpu.memory_space<vmem>>, vector<16xi32>,
    %min3A_152 = arith.minsi %min3A_134, %max3A_149 : vector<16xi32>
    %max3A_153 = arith.maxsi %max3A_135, %max3A_149 : vector<16xi32>
    %broadcast_in_dim3A_154 = arith.constant 0 : i32
    %broadcast_in_dim3A_155 = vector.broadcast %broadcast_in_dim3A_154 : i32 to vector<16xi32>
    %scan3A_156 = arith.constant 0 : i32
    %scan3A_157 = arith.constant 200 : i32
    %scan3A_158 = arith.addi %scan3A_156, %scan3A_157 : i32
    %scan3A_159 = arith.constant 1 : i32
    %scan3A_160 = scf.for %scan3A_594 = %scan3A_156 to %scan3A_158 step %scan3A_159 iter_args(%scan3A_595 = %broadcast_in_dim3A_155) -> (vector<16xi32>)  : i32 {
      %get3A = arith.index_cast %scan3A_594 : i32 to index
      %get3A_596 = arith.constant 128 : index
      %get3A_597 = tpu.vector_load %arg6[%get3A, %get3A_596] {strides = array<i32>} : memref<200x512xi32, #tpu.memory_space<vmem>>, vector<16xi32>,
      %add3A_598 = arith.addi %scan3A_595, %get3A_597 : vector<16xi32>
      scf.yield %add3A_598 : vector<16xi32>
    }
    %scan3A_161 = arith.constant 200 : i32
    %sub3A_162 = arith.constant 1 : i32
    %sub3A_163 = vector.broadcast %sub3A_162 : i32 to vector<16xi32>
    %sub3A_164 = arith.subi %scan3A_160, %sub3A_163 : vector<16xi32>
    %max3A_165 = arith.constant 0 : i32
    %max3A_166 = vector.broadcast %max3A_165 : i32 to vector<16xi32>
    %max3A_167 = arith.maxsi %sub3A_164, %max3A_166 : vector<16xi32>
    %swap3A_168 = arith.constant 128 : index
    %swap3A_169 = tpu.vector_load %arg7[%swap3A_168] {strides = array<i32>} : memref<512xi32, #tpu.memory_space<vmem>>, vector<16xi32>,
    tpu.vector_store %arg7[%swap3A_168], %max3A_167 {strides = array<i32>} : memref<512xi32, #tpu.memory_space<vmem>>, vector<16xi32>,
    %min3A_170 = arith.minsi %min3A_152, %max3A_167 : vector<16xi32>
    %max3A_171 = arith.maxsi %max3A_153, %max3A_167 : vector<16xi32>
    %broadcast_in_dim3A_172 = arith.constant 0 : i32
    %broadcast_in_dim3A_173 = vector.broadcast %broadcast_in_dim3A_172 : i32 to vector<16xi32>
    %scan3A_174 = arith.constant 0 : i32
    %scan3A_175 = arith.constant 200 : i32
    %scan3A_176 = arith.addi %scan3A_174, %scan3A_175 : i32
    %scan3A_177 = arith.constant 1 : i32
    %scan3A_178 = scf.for %scan3A_594 = %scan3A_174 to %scan3A_176 step %scan3A_177 iter_args(%scan3A_595 = %broadcast_in_dim3A_173) -> (vector<16xi32>)  : i32 {
      %get3A = arith.index_cast %scan3A_594 : i32 to index
      %get3A_596 = arith.constant 144 : index
      %get3A_597 = tpu.vector_load %arg6[%get3A, %get3A_596] {strides = array<i32>} : memref<200x512xi32, #tpu.memory_space<vmem>>, vector<16xi32>,
      %add3A_598 = arith.addi %scan3A_595, %get3A_597 : vector<16xi32>
      scf.yield %add3A_598 : vector<16xi32>
    }
    %scan3A_179 = arith.constant 200 : i32
    %sub3A_180 = arith.constant 1 : i32
    %sub3A_181 = vector.broadcast %sub3A_180 : i32 to vector<16xi32>
    %sub3A_182 = arith.subi %scan3A_178, %sub3A_181 : vector<16xi32>
    %max3A_183 = arith.constant 0 : i32
    %max3A_184 = vector.broadcast %max3A_183 : i32 to vector<16xi32>
    %max3A_185 = arith.maxsi %sub3A_182, %max3A_184 : vector<16xi32>
    %swap3A_186 = arith.constant 144 : index
    %swap3A_187 = tpu.vector_load %arg7[%swap3A_186] {strides = array<i32>} : memref<512xi32, #tpu.memory_space<vmem>>, vector<16xi32>,
    tpu.vector_store %arg7[%swap3A_186], %max3A_185 {strides = array<i32>} : memref<512xi32, #tpu.memory_space<vmem>>, vector<16xi32>,
    %min3A_188 = arith.minsi %min3A_170, %max3A_185 : vector<16xi32>
    %max3A_189 = arith.maxsi %max3A_171, %max3A_185 : vector<16xi32>
    %broadcast_in_dim3A_190 = arith.constant 0 : i32
    %broadcast_in_dim3A_191 = vector.broadcast %broadcast_in_dim3A_190 : i32 to vector<16xi32>
    %scan3A_192 = arith.constant 0 : i32
    %scan3A_193 = arith.constant 200 : i32
    %scan3A_194 = arith.addi %scan3A_192, %scan3A_193 : i32
    %scan3A_195 = arith.constant 1 : i32
    %scan3A_196 = scf.for %scan3A_594 = %scan3A_192 to %scan3A_194 step %scan3A_195 iter_args(%scan3A_595 = %broadcast_in_dim3A_191) -> (vector<16xi32>)  : i32 {
      %get3A = arith.index_cast %scan3A_594 : i32 to index
      %get3A_596 = arith.constant 160 : index
      %get3A_597 = tpu.vector_load %arg6[%get3A, %get3A_596] {strides = array<i32>} : memref<200x512xi32, #tpu.memory_space<vmem>>, vector<16xi32>,
      %add3A_598 = arith.addi %scan3A_595, %get3A_597 : vector<16xi32>
      scf.yield %add3A_598 : vector<16xi32>
    }
    %scan3A_197 = arith.constant 200 : i32
    %sub3A_198 = arith.constant 1 : i32
    %sub3A_199 = vector.broadcast %sub3A_198 : i32 to vector<16xi32>
    %sub3A_200 = arith.subi %scan3A_196, %sub3A_199 : vector<16xi32>
    %max3A_201 = arith.constant 0 : i32
    %max3A_202 = vector.broadcast %max3A_201 : i32 to vector<16xi32>
    %max3A_203 = arith.maxsi %sub3A_200, %max3A_202 : vector<16xi32>
    %swap3A_204 = arith.constant 160 : index
    %swap3A_205 = tpu.vector_load %arg7[%swap3A_204] {strides = array<i32>} : memref<512xi32, #tpu.memory_space<vmem>>, vector<16xi32>,
    tpu.vector_store %arg7[%swap3A_204], %max3A_203 {strides = array<i32>} : memref<512xi32, #tpu.memory_space<vmem>>, vector<16xi32>,
    %min3A_206 = arith.minsi %min3A_188, %max3A_203 : vector<16xi32>
    %max3A_207 = arith.maxsi %max3A_189, %max3A_203 : vector<16xi32>
    %broadcast_in_dim3A_208 = arith.constant 0 : i32
    %broadcast_in_dim3A_209 = vector.broadcast %broadcast_in_dim3A_208 : i32 to vector<16xi32>
    %scan3A_210 = arith.constant 0 : i32
    %scan3A_211 = arith.constant 200 : i32
    %scan3A_212 = arith.addi %scan3A_210, %scan3A_211 : i32
    %scan3A_213 = arith.constant 1 : i32
    %scan3A_214 = scf.for %scan3A_594 = %scan3A_210 to %scan3A_212 step %scan3A_213 iter_args(%scan3A_595 = %broadcast_in_dim3A_209) -> (vector<16xi32>)  : i32 {
      %get3A = arith.index_cast %scan3A_594 : i32 to index
      %get3A_596 = arith.constant 176 : index
      %get3A_597 = tpu.vector_load %arg6[%get3A, %get3A_596] {strides = array<i32>} : memref<200x512xi32, #tpu.memory_space<vmem>>, vector<16xi32>,
      %add3A_598 = arith.addi %scan3A_595, %get3A_597 : vector<16xi32>
      scf.yield %add3A_598 : vector<16xi32>
    }
    %scan3A_215 = arith.constant 200 : i32
    %sub3A_216 = arith.constant 1 : i32
    %sub3A_217 = vector.broadcast %sub3A_216 : i32 to vector<16xi32>
    %sub3A_218 = arith.subi %scan3A_214, %sub3A_217 : vector<16xi32>
    %max3A_219 = arith.constant 0 : i32
    %max3A_220 = vector.broadcast %max3A_219 : i32 to vector<16xi32>
    %max3A_221 = arith.maxsi %sub3A_218, %max3A_220 : vector<16xi32>
    %swap3A_222 = arith.constant 176 : index
    %swap3A_223 = tpu.vector_load %arg7[%swap3A_222] {strides = array<i32>} : memref<512xi32, #tpu.memory_space<vmem>>, vector<16xi32>,
    tpu.vector_store %arg7[%swap3A_222], %max3A_221 {strides = array<i32>} : memref<512xi32, #tpu.memory_space<vmem>>, vector<16xi32>,
    %min3A_224 = arith.minsi %min3A_206, %max3A_221 : vector<16xi32>
    %max3A_225 = arith.maxsi %max3A_207, %max3A_221 : vector<16xi32>
    %broadcast_in_dim3A_226 = arith.constant 0 : i32
    %broadcast_in_dim3A_227 = vector.broadcast %broadcast_in_dim3A_226 : i32 to vector<16xi32>
    %scan3A_228 = arith.constant 0 : i32
    %scan3A_229 = arith.constant 200 : i32
    %scan3A_230 = arith.addi %scan3A_228, %scan3A_229 : i32
    %scan3A_231 = arith.constant 1 : i32
    %scan3A_232 = scf.for %scan3A_594 = %scan3A_228 to %scan3A_230 step %scan3A_231 iter_args(%scan3A_595 = %broadcast_in_dim3A_227) -> (vector<16xi32>)  : i32 {
      %get3A = arith.index_cast %scan3A_594 : i32 to index
      %get3A_596 = arith.constant 192 : index
      %get3A_597 = tpu.vector_load %arg6[%get3A, %get3A_596] {strides = array<i32>} : memref<200x512xi32, #tpu.memory_space<vmem>>, vector<16xi32>,
      %add3A_598 = arith.addi %scan3A_595, %get3A_597 : vector<16xi32>
      scf.yield %add3A_598 : vector<16xi32>
    }
    %scan3A_233 = arith.constant 200 : i32
    %sub3A_234 = arith.constant 1 : i32
    %sub3A_235 = vector.broadcast %sub3A_234 : i32 to vector<16xi32>
    %sub3A_236 = arith.subi %scan3A_232, %sub3A_235 : vector<16xi32>
    %max3A_237 = arith.constant 0 : i32
    %max3A_238 = vector.broadcast %max3A_237 : i32 to vector<16xi32>
    %max3A_239 = arith.maxsi %sub3A_236, %max3A_238 : vector<16xi32>
    %swap3A_240 = arith.constant 192 : index
    %swap3A_241 = tpu.vector_load %arg7[%swap3A_240] {strides = array<i32>} : memref<512xi32, #tpu.memory_space<vmem>>, vector<16xi32>,
    tpu.vector_store %arg7[%swap3A_240], %max3A_239 {strides = array<i32>} : memref<512xi32, #tpu.memory_space<vmem>>, vector<16xi32>,
    %min3A_242 = arith.minsi %min3A_224, %max3A_239 : vector<16xi32>
    %max3A_243 = arith.maxsi %max3A_225, %max3A_239 : vector<16xi32>
    %broadcast_in_dim3A_244 = arith.constant 0 : i32
    %broadcast_in_dim3A_245 = vector.broadcast %broadcast_in_dim3A_244 : i32 to vector<16xi32>
    %scan3A_246 = arith.constant 0 : i32
    %scan3A_247 = arith.constant 200 : i32
    %scan3A_248 = arith.addi %scan3A_246, %scan3A_247 : i32
    %scan3A_249 = arith.constant 1 : i32
    %scan3A_250 = scf.for %scan3A_594 = %scan3A_246 to %scan3A_248 step %scan3A_249 iter_args(%scan3A_595 = %broadcast_in_dim3A_245) -> (vector<16xi32>)  : i32 {
      %get3A = arith.index_cast %scan3A_594 : i32 to index
      %get3A_596 = arith.constant 208 : index
      %get3A_597 = tpu.vector_load %arg6[%get3A, %get3A_596] {strides = array<i32>} : memref<200x512xi32, #tpu.memory_space<vmem>>, vector<16xi32>,
      %add3A_598 = arith.addi %scan3A_595, %get3A_597 : vector<16xi32>
      scf.yield %add3A_598 : vector<16xi32>
    }
    %scan3A_251 = arith.constant 200 : i32
    %sub3A_252 = arith.constant 1 : i32
    %sub3A_253 = vector.broadcast %sub3A_252 : i32 to vector<16xi32>
    %sub3A_254 = arith.subi %scan3A_250, %sub3A_253 : vector<16xi32>
    %max3A_255 = arith.constant 0 : i32
    %max3A_256 = vector.broadcast %max3A_255 : i32 to vector<16xi32>
    %max3A_257 = arith.maxsi %sub3A_254, %max3A_256 : vector<16xi32>
    %swap3A_258 = arith.constant 208 : index
    %swap3A_259 = tpu.vector_load %arg7[%swap3A_258] {strides = array<i32>} : memref<512xi32, #tpu.memory_space<vmem>>, vector<16xi32>,
    tpu.vector_store %arg7[%swap3A_258], %max3A_257 {strides = array<i32>} : memref<512xi32, #tpu.memory_space<vmem>>, vector<16xi32>,
    %min3A_260 = arith.minsi %min3A_242, %max3A_257 : vector<16xi32>
    %max3A_261 = arith.maxsi %max3A_243, %max3A_257 : vector<16xi32>
    %broadcast_in_dim3A_262 = arith.constant 0 : i32
    %broadcast_in_dim3A_263 = vector.broadcast %broadcast_in_dim3A_262 : i32 to vector<16xi32>
    %scan3A_264 = arith.constant 0 : i32
    %scan3A_265 = arith.constant 200 : i32
    %scan3A_266 = arith.addi %scan3A_264, %scan3A_265 : i32
    %scan3A_267 = arith.constant 1 : i32
    %scan3A_268 = scf.for %scan3A_594 = %scan3A_264 to %scan3A_266 step %scan3A_267 iter_args(%scan3A_595 = %broadcast_in_dim3A_263) -> (vector<16xi32>)  : i32 {
      %get3A = arith.index_cast %scan3A_594 : i32 to index
      %get3A_596 = arith.constant 224 : index
      %get3A_597 = tpu.vector_load %arg6[%get3A, %get3A_596] {strides = array<i32>} : memref<200x512xi32, #tpu.memory_space<vmem>>, vector<16xi32>,
      %add3A_598 = arith.addi %scan3A_595, %get3A_597 : vector<16xi32>
      scf.yield %add3A_598 : vector<16xi32>
    }
    %scan3A_269 = arith.constant 200 : i32
    %sub3A_270 = arith.constant 1 : i32
    %sub3A_271 = vector.broadcast %sub3A_270 : i32 to vector<16xi32>
    %sub3A_272 = arith.subi %scan3A_268, %sub3A_271 : vector<16xi32>
    %max3A_273 = arith.constant 0 : i32
    %max3A_274 = vector.broadcast %max3A_273 : i32 to vector<16xi32>
    %max3A_275 = arith.maxsi %sub3A_272, %max3A_274 : vector<16xi32>
    %swap3A_276 = arith.constant 224 : index
    %swap3A_277 = tpu.vector_load %arg7[%swap3A_276] {strides = array<i32>} : memref<512xi32, #tpu.memory_space<vmem>>, vector<16xi32>,
    tpu.vector_store %arg7[%swap3A_276], %max3A_275 {strides = array<i32>} : memref<512xi32, #tpu.memory_space<vmem>>, vector<16xi32>,
    %min3A_278 = arith.minsi %min3A_260, %max3A_275 : vector<16xi32>
    %max3A_279 = arith.maxsi %max3A_261, %max3A_275 : vector<16xi32>
    %broadcast_in_dim3A_280 = arith.constant 0 : i32
    %broadcast_in_dim3A_281 = vector.broadcast %broadcast_in_dim3A_280 : i32 to vector<16xi32>
    %scan3A_282 = arith.constant 0 : i32
    %scan3A_283 = arith.constant 200 : i32
    %scan3A_284 = arith.addi %scan3A_282, %scan3A_283 : i32
    %scan3A_285 = arith.constant 1 : i32
    %scan3A_286 = scf.for %scan3A_594 = %scan3A_282 to %scan3A_284 step %scan3A_285 iter_args(%scan3A_595 = %broadcast_in_dim3A_281) -> (vector<16xi32>)  : i32 {
      %get3A = arith.index_cast %scan3A_594 : i32 to index
      %get3A_596 = arith.constant 240 : index
      %get3A_597 = tpu.vector_load %arg6[%get3A, %get3A_596] {strides = array<i32>} : memref<200x512xi32, #tpu.memory_space<vmem>>, vector<16xi32>,
      %add3A_598 = arith.addi %scan3A_595, %get3A_597 : vector<16xi32>
      scf.yield %add3A_598 : vector<16xi32>
    }
    %scan3A_287 = arith.constant 200 : i32
    %sub3A_288 = arith.constant 1 : i32
    %sub3A_289 = vector.broadcast %sub3A_288 : i32 to vector<16xi32>
    %sub3A_290 = arith.subi %scan3A_286, %sub3A_289 : vector<16xi32>
    %max3A_291 = arith.constant 0 : i32
    %max3A_292 = vector.broadcast %max3A_291 : i32 to vector<16xi32>
    %max3A_293 = arith.maxsi %sub3A_290, %max3A_292 : vector<16xi32>
    %swap3A_294 = arith.constant 240 : index
    %swap3A_295 = tpu.vector_load %arg7[%swap3A_294] {strides = array<i32>} : memref<512xi32, #tpu.memory_space<vmem>>, vector<16xi32>,
    tpu.vector_store %arg7[%swap3A_294], %max3A_293 {strides = array<i32>} : memref<512xi32, #tpu.memory_space<vmem>>, vector<16xi32>,
    %min3A_296 = arith.minsi %min3A_278, %max3A_293 : vector<16xi32>
    %max3A_297 = arith.maxsi %max3A_279, %max3A_293 : vector<16xi32>
    %broadcast_in_dim3A_298 = arith.constant 0 : i32
    %broadcast_in_dim3A_299 = vector.broadcast %broadcast_in_dim3A_298 : i32 to vector<16xi32>
    %scan3A_300 = arith.constant 0 : i32
    %scan3A_301 = arith.constant 200 : i32
    %scan3A_302 = arith.addi %scan3A_300, %scan3A_301 : i32
    %scan3A_303 = arith.constant 1 : i32
    %scan3A_304 = scf.for %scan3A_594 = %scan3A_300 to %scan3A_302 step %scan3A_303 iter_args(%scan3A_595 = %broadcast_in_dim3A_299) -> (vector<16xi32>)  : i32 {
      %get3A = arith.index_cast %scan3A_594 : i32 to index
      %get3A_596 = arith.constant 256 : index
      %get3A_597 = tpu.vector_load %arg6[%get3A, %get3A_596] {strides = array<i32>} : memref<200x512xi32, #tpu.memory_space<vmem>>, vector<16xi32>,
      %add3A_598 = arith.addi %scan3A_595, %get3A_597 : vector<16xi32>
      scf.yield %add3A_598 : vector<16xi32>
    }
    %scan3A_305 = arith.constant 200 : i32
    %sub3A_306 = arith.constant 1 : i32
    %sub3A_307 = vector.broadcast %sub3A_306 : i32 to vector<16xi32>
    %sub3A_308 = arith.subi %scan3A_304, %sub3A_307 : vector<16xi32>
    %max3A_309 = arith.constant 0 : i32
    %max3A_310 = vector.broadcast %max3A_309 : i32 to vector<16xi32>
    %max3A_311 = arith.maxsi %sub3A_308, %max3A_310 : vector<16xi32>
    %swap3A_312 = arith.constant 256 : index
    %swap3A_313 = tpu.vector_load %arg7[%swap3A_312] {strides = array<i32>} : memref<512xi32, #tpu.memory_space<vmem>>, vector<16xi32>,
    tpu.vector_store %arg7[%swap3A_312], %max3A_311 {strides = array<i32>} : memref<512xi32, #tpu.memory_space<vmem>>, vector<16xi32>,
    %min3A_314 = arith.minsi %min3A_296, %max3A_311 : vector<16xi32>
    %max3A_315 = arith.maxsi %max3A_297, %max3A_311 : vector<16xi32>
    %broadcast_in_dim3A_316 = arith.constant 0 : i32
    %broadcast_in_dim3A_317 = vector.broadcast %broadcast_in_dim3A_316 : i32 to vector<16xi32>
    %scan3A_318 = arith.constant 0 : i32
    %scan3A_319 = arith.constant 200 : i32
    %scan3A_320 = arith.addi %scan3A_318, %scan3A_319 : i32
    %scan3A_321 = arith.constant 1 : i32
    %scan3A_322 = scf.for %scan3A_594 = %scan3A_318 to %scan3A_320 step %scan3A_321 iter_args(%scan3A_595 = %broadcast_in_dim3A_317) -> (vector<16xi32>)  : i32 {
      %get3A = arith.index_cast %scan3A_594 : i32 to index
      %get3A_596 = arith.constant 272 : index
      %get3A_597 = tpu.vector_load %arg6[%get3A, %get3A_596] {strides = array<i32>} : memref<200x512xi32, #tpu.memory_space<vmem>>, vector<16xi32>,
      %add3A_598 = arith.addi %scan3A_595, %get3A_597 : vector<16xi32>
      scf.yield %add3A_598 : vector<16xi32>
    }
    %scan3A_323 = arith.constant 200 : i32
    %sub3A_324 = arith.constant 1 : i32
    %sub3A_325 = vector.broadcast %sub3A_324 : i32 to vector<16xi32>
    %sub3A_326 = arith.subi %scan3A_322, %sub3A_325 : vector<16xi32>
    %max3A_327 = arith.constant 0 : i32
    %max3A_328 = vector.broadcast %max3A_327 : i32 to vector<16xi32>
    %max3A_329 = arith.maxsi %sub3A_326, %max3A_328 : vector<16xi32>
    %swap3A_330 = arith.constant 272 : index
    %swap3A_331 = tpu.vector_load %arg7[%swap3A_330] {strides = array<i32>} : memref<512xi32, #tpu.memory_space<vmem>>, vector<16xi32>,
    tpu.vector_store %arg7[%swap3A_330], %max3A_329 {strides = array<i32>} : memref<512xi32, #tpu.memory_space<vmem>>, vector<16xi32>,
    %min3A_332 = arith.minsi %min3A_314, %max3A_329 : vector<16xi32>
    %max3A_333 = arith.maxsi %max3A_315, %max3A_329 : vector<16xi32>
    %broadcast_in_dim3A_334 = arith.constant 0 : i32
    %broadcast_in_dim3A_335 = vector.broadcast %broadcast_in_dim3A_334 : i32 to vector<16xi32>
    %scan3A_336 = arith.constant 0 : i32
    %scan3A_337 = arith.constant 200 : i32
    %scan3A_338 = arith.addi %scan3A_336, %scan3A_337 : i32
    %scan3A_339 = arith.constant 1 : i32
    %scan3A_340 = scf.for %scan3A_594 = %scan3A_336 to %scan3A_338 step %scan3A_339 iter_args(%scan3A_595 = %broadcast_in_dim3A_335) -> (vector<16xi32>)  : i32 {
      %get3A = arith.index_cast %scan3A_594 : i32 to index
      %get3A_596 = arith.constant 288 : index
      %get3A_597 = tpu.vector_load %arg6[%get3A, %get3A_596] {strides = array<i32>} : memref<200x512xi32, #tpu.memory_space<vmem>>, vector<16xi32>,
      %add3A_598 = arith.addi %scan3A_595, %get3A_597 : vector<16xi32>
      scf.yield %add3A_598 : vector<16xi32>
    }
    %scan3A_341 = arith.constant 200 : i32
    %sub3A_342 = arith.constant 1 : i32
    %sub3A_343 = vector.broadcast %sub3A_342 : i32 to vector<16xi32>
    %sub3A_344 = arith.subi %scan3A_340, %sub3A_343 : vector<16xi32>
    %max3A_345 = arith.constant 0 : i32
    %max3A_346 = vector.broadcast %max3A_345 : i32 to vector<16xi32>
    %max3A_347 = arith.maxsi %sub3A_344, %max3A_346 : vector<16xi32>
    %swap3A_348 = arith.constant 288 : index
    %swap3A_349 = tpu.vector_load %arg7[%swap3A_348] {strides = array<i32>} : memref<512xi32, #tpu.memory_space<vmem>>, vector<16xi32>,
    tpu.vector_store %arg7[%swap3A_348], %max3A_347 {strides = array<i32>} : memref<512xi32, #tpu.memory_space<vmem>>, vector<16xi32>,
    %min3A_350 = arith.minsi %min3A_332, %max3A_347 : vector<16xi32>
    %max3A_351 = arith.maxsi %max3A_333, %max3A_347 : vector<16xi32>
    %broadcast_in_dim3A_352 = arith.constant 0 : i32
    %broadcast_in_dim3A_353 = vector.broadcast %broadcast_in_dim3A_352 : i32 to vector<16xi32>
    %scan3A_354 = arith.constant 0 : i32
    %scan3A_355 = arith.constant 200 : i32
    %scan3A_356 = arith.addi %scan3A_354, %scan3A_355 : i32
    %scan3A_357 = arith.constant 1 : i32
    %scan3A_358 = scf.for %scan3A_594 = %scan3A_354 to %scan3A_356 step %scan3A_357 iter_args(%scan3A_595 = %broadcast_in_dim3A_353) -> (vector<16xi32>)  : i32 {
      %get3A = arith.index_cast %scan3A_594 : i32 to index
      %get3A_596 = arith.constant 304 : index
      %get3A_597 = tpu.vector_load %arg6[%get3A, %get3A_596] {strides = array<i32>} : memref<200x512xi32, #tpu.memory_space<vmem>>, vector<16xi32>,
      %add3A_598 = arith.addi %scan3A_595, %get3A_597 : vector<16xi32>
      scf.yield %add3A_598 : vector<16xi32>
    }
    %scan3A_359 = arith.constant 200 : i32
    %sub3A_360 = arith.constant 1 : i32
    %sub3A_361 = vector.broadcast %sub3A_360 : i32 to vector<16xi32>
    %sub3A_362 = arith.subi %scan3A_358, %sub3A_361 : vector<16xi32>
    %max3A_363 = arith.constant 0 : i32
    %max3A_364 = vector.broadcast %max3A_363 : i32 to vector<16xi32>
    %max3A_365 = arith.maxsi %sub3A_362, %max3A_364 : vector<16xi32>
    %swap3A_366 = arith.constant 304 : index
    %swap3A_367 = tpu.vector_load %arg7[%swap3A_366] {strides = array<i32>} : memref<512xi32, #tpu.memory_space<vmem>>, vector<16xi32>,
    tpu.vector_store %arg7[%swap3A_366], %max3A_365 {strides = array<i32>} : memref<512xi32, #tpu.memory_space<vmem>>, vector<16xi32>,
    %min3A_368 = arith.minsi %min3A_350, %max3A_365 : vector<16xi32>
    %max3A_369 = arith.maxsi %max3A_351, %max3A_365 : vector<16xi32>
    %broadcast_in_dim3A_370 = arith.constant 0 : i32
    %broadcast_in_dim3A_371 = vector.broadcast %broadcast_in_dim3A_370 : i32 to vector<16xi32>
    %scan3A_372 = arith.constant 0 : i32
    %scan3A_373 = arith.constant 200 : i32
    %scan3A_374 = arith.addi %scan3A_372, %scan3A_373 : i32
    %scan3A_375 = arith.constant 1 : i32
    %scan3A_376 = scf.for %scan3A_594 = %scan3A_372 to %scan3A_374 step %scan3A_375 iter_args(%scan3A_595 = %broadcast_in_dim3A_371) -> (vector<16xi32>)  : i32 {
      %get3A = arith.index_cast %scan3A_594 : i32 to index
      %get3A_596 = arith.constant 320 : index
      %get3A_597 = tpu.vector_load %arg6[%get3A, %get3A_596] {strides = array<i32>} : memref<200x512xi32, #tpu.memory_space<vmem>>, vector<16xi32>,
      %add3A_598 = arith.addi %scan3A_595, %get3A_597 : vector<16xi32>
      scf.yield %add3A_598 : vector<16xi32>
    }
    %scan3A_377 = arith.constant 200 : i32
    %sub3A_378 = arith.constant 1 : i32
    %sub3A_379 = vector.broadcast %sub3A_378 : i32 to vector<16xi32>
    %sub3A_380 = arith.subi %scan3A_376, %sub3A_379 : vector<16xi32>
    %max3A_381 = arith.constant 0 : i32
    %max3A_382 = vector.broadcast %max3A_381 : i32 to vector<16xi32>
    %max3A_383 = arith.maxsi %sub3A_380, %max3A_382 : vector<16xi32>
    %swap3A_384 = arith.constant 320 : index
    %swap3A_385 = tpu.vector_load %arg7[%swap3A_384] {strides = array<i32>} : memref<512xi32, #tpu.memory_space<vmem>>, vector<16xi32>,
    tpu.vector_store %arg7[%swap3A_384], %max3A_383 {strides = array<i32>} : memref<512xi32, #tpu.memory_space<vmem>>, vector<16xi32>,
    %min3A_386 = arith.minsi %min3A_368, %max3A_383 : vector<16xi32>
    %max3A_387 = arith.maxsi %max3A_369, %max3A_383 : vector<16xi32>
    %broadcast_in_dim3A_388 = arith.constant 0 : i32
    %broadcast_in_dim3A_389 = vector.broadcast %broadcast_in_dim3A_388 : i32 to vector<16xi32>
    %scan3A_390 = arith.constant 0 : i32
    %scan3A_391 = arith.constant 200 : i32
    %scan3A_392 = arith.addi %scan3A_390, %scan3A_391 : i32
    %scan3A_393 = arith.constant 1 : i32
    %scan3A_394 = scf.for %scan3A_594 = %scan3A_390 to %scan3A_392 step %scan3A_393 iter_args(%scan3A_595 = %broadcast_in_dim3A_389) -> (vector<16xi32>)  : i32 {
      %get3A = arith.index_cast %scan3A_594 : i32 to index
      %get3A_596 = arith.constant 336 : index
      %get3A_597 = tpu.vector_load %arg6[%get3A, %get3A_596] {strides = array<i32>} : memref<200x512xi32, #tpu.memory_space<vmem>>, vector<16xi32>,
      %add3A_598 = arith.addi %scan3A_595, %get3A_597 : vector<16xi32>
      scf.yield %add3A_598 : vector<16xi32>
    }
    %scan3A_395 = arith.constant 200 : i32
    %sub3A_396 = arith.constant 1 : i32
    %sub3A_397 = vector.broadcast %sub3A_396 : i32 to vector<16xi32>
    %sub3A_398 = arith.subi %scan3A_394, %sub3A_397 : vector<16xi32>
    %max3A_399 = arith.constant 0 : i32
    %max3A_400 = vector.broadcast %max3A_399 : i32 to vector<16xi32>
    %max3A_401 = arith.maxsi %sub3A_398, %max3A_400 : vector<16xi32>
    %swap3A_402 = arith.constant 336 : index
    %swap3A_403 = tpu.vector_load %arg7[%swap3A_402] {strides = array<i32>} : memref<512xi32, #tpu.memory_space<vmem>>, vector<16xi32>,
    tpu.vector_store %arg7[%swap3A_402], %max3A_401 {strides = array<i32>} : memref<512xi32, #tpu.memory_space<vmem>>, vector<16xi32>,
    %min3A_404 = arith.minsi %min3A_386, %max3A_401 : vector<16xi32>
    %max3A_405 = arith.maxsi %max3A_387, %max3A_401 : vector<16xi32>
    %broadcast_in_dim3A_406 = arith.constant 0 : i32
    %broadcast_in_dim3A_407 = vector.broadcast %broadcast_in_dim3A_406 : i32 to vector<16xi32>
    %scan3A_408 = arith.constant 0 : i32
    %scan3A_409 = arith.constant 200 : i32
    %scan3A_410 = arith.addi %scan3A_408, %scan3A_409 : i32
    %scan3A_411 = arith.constant 1 : i32
    %scan3A_412 = scf.for %scan3A_594 = %scan3A_408 to %scan3A_410 step %scan3A_411 iter_args(%scan3A_595 = %broadcast_in_dim3A_407) -> (vector<16xi32>)  : i32 {
      %get3A = arith.index_cast %scan3A_594 : i32 to index
      %get3A_596 = arith.constant 352 : index
      %get3A_597 = tpu.vector_load %arg6[%get3A, %get3A_596] {strides = array<i32>} : memref<200x512xi32, #tpu.memory_space<vmem>>, vector<16xi32>,
      %add3A_598 = arith.addi %scan3A_595, %get3A_597 : vector<16xi32>
      scf.yield %add3A_598 : vector<16xi32>
    }
    %scan3A_413 = arith.constant 200 : i32
    %sub3A_414 = arith.constant 1 : i32
    %sub3A_415 = vector.broadcast %sub3A_414 : i32 to vector<16xi32>
    %sub3A_416 = arith.subi %scan3A_412, %sub3A_415 : vector<16xi32>
    %max3A_417 = arith.constant 0 : i32
    %max3A_418 = vector.broadcast %max3A_417 : i32 to vector<16xi32>
    %max3A_419 = arith.maxsi %sub3A_416, %max3A_418 : vector<16xi32>
    %swap3A_420 = arith.constant 352 : index
    %swap3A_421 = tpu.vector_load %arg7[%swap3A_420] {strides = array<i32>} : memref<512xi32, #tpu.memory_space<vmem>>, vector<16xi32>,
    tpu.vector_store %arg7[%swap3A_420], %max3A_419 {strides = array<i32>} : memref<512xi32, #tpu.memory_space<vmem>>, vector<16xi32>,
    %min3A_422 = arith.minsi %min3A_404, %max3A_419 : vector<16xi32>
    %max3A_423 = arith.maxsi %max3A_405, %max3A_419 : vector<16xi32>
    %broadcast_in_dim3A_424 = arith.constant 0 : i32
    %broadcast_in_dim3A_425 = vector.broadcast %broadcast_in_dim3A_424 : i32 to vector<16xi32>
    %scan3A_426 = arith.constant 0 : i32
    %scan3A_427 = arith.constant 200 : i32
    %scan3A_428 = arith.addi %scan3A_426, %scan3A_427 : i32
    %scan3A_429 = arith.constant 1 : i32
    %scan3A_430 = scf.for %scan3A_594 = %scan3A_426 to %scan3A_428 step %scan3A_429 iter_args(%scan3A_595 = %broadcast_in_dim3A_425) -> (vector<16xi32>)  : i32 {
      %get3A = arith.index_cast %scan3A_594 : i32 to index
      %get3A_596 = arith.constant 368 : index
      %get3A_597 = tpu.vector_load %arg6[%get3A, %get3A_596] {strides = array<i32>} : memref<200x512xi32, #tpu.memory_space<vmem>>, vector<16xi32>,
      %add3A_598 = arith.addi %scan3A_595, %get3A_597 : vector<16xi32>
      scf.yield %add3A_598 : vector<16xi32>
    }
    %scan3A_431 = arith.constant 200 : i32
    %sub3A_432 = arith.constant 1 : i32
    %sub3A_433 = vector.broadcast %sub3A_432 : i32 to vector<16xi32>
    %sub3A_434 = arith.subi %scan3A_430, %sub3A_433 : vector<16xi32>
    %max3A_435 = arith.constant 0 : i32
    %max3A_436 = vector.broadcast %max3A_435 : i32 to vector<16xi32>
    %max3A_437 = arith.maxsi %sub3A_434, %max3A_436 : vector<16xi32>
    %swap3A_438 = arith.constant 368 : index
    %swap3A_439 = tpu.vector_load %arg7[%swap3A_438] {strides = array<i32>} : memref<512xi32, #tpu.memory_space<vmem>>, vector<16xi32>,
    tpu.vector_store %arg7[%swap3A_438], %max3A_437 {strides = array<i32>} : memref<512xi32, #tpu.memory_space<vmem>>, vector<16xi32>,
    %min3A_440 = arith.minsi %min3A_422, %max3A_437 : vector<16xi32>
    %max3A_441 = arith.maxsi %max3A_423, %max3A_437 : vector<16xi32>
    %broadcast_in_dim3A_442 = arith.constant 0 : i32
    %broadcast_in_dim3A_443 = vector.broadcast %broadcast_in_dim3A_442 : i32 to vector<16xi32>
    %scan3A_444 = arith.constant 0 : i32
    %scan3A_445 = arith.constant 200 : i32
    %scan3A_446 = arith.addi %scan3A_444, %scan3A_445 : i32
    %scan3A_447 = arith.constant 1 : i32
    %scan3A_448 = scf.for %scan3A_594 = %scan3A_444 to %scan3A_446 step %scan3A_447 iter_args(%scan3A_595 = %broadcast_in_dim3A_443) -> (vector<16xi32>)  : i32 {
      %get3A = arith.index_cast %scan3A_594 : i32 to index
      %get3A_596 = arith.constant 384 : index
      %get3A_597 = tpu.vector_load %arg6[%get3A, %get3A_596] {strides = array<i32>} : memref<200x512xi32, #tpu.memory_space<vmem>>, vector<16xi32>,
      %add3A_598 = arith.addi %scan3A_595, %get3A_597 : vector<16xi32>
      scf.yield %add3A_598 : vector<16xi32>
    }
    %scan3A_449 = arith.constant 200 : i32
    %sub3A_450 = arith.constant 1 : i32
    %sub3A_451 = vector.broadcast %sub3A_450 : i32 to vector<16xi32>
    %sub3A_452 = arith.subi %scan3A_448, %sub3A_451 : vector<16xi32>
    %max3A_453 = arith.constant 0 : i32
    %max3A_454 = vector.broadcast %max3A_453 : i32 to vector<16xi32>
    %max3A_455 = arith.maxsi %sub3A_452, %max3A_454 : vector<16xi32>
    %swap3A_456 = arith.constant 384 : index
    %swap3A_457 = tpu.vector_load %arg7[%swap3A_456] {strides = array<i32>} : memref<512xi32, #tpu.memory_space<vmem>>, vector<16xi32>,
    tpu.vector_store %arg7[%swap3A_456], %max3A_455 {strides = array<i32>} : memref<512xi32, #tpu.memory_space<vmem>>, vector<16xi32>,
    %min3A_458 = arith.minsi %min3A_440, %max3A_455 : vector<16xi32>
    %max3A_459 = arith.maxsi %max3A_441, %max3A_455 : vector<16xi32>
    %broadcast_in_dim3A_460 = arith.constant 0 : i32
    %broadcast_in_dim3A_461 = vector.broadcast %broadcast_in_dim3A_460 : i32 to vector<16xi32>
    %scan3A_462 = arith.constant 0 : i32
    %scan3A_463 = arith.constant 200 : i32
    %scan3A_464 = arith.addi %scan3A_462, %scan3A_463 : i32
    %scan3A_465 = arith.constant 1 : i32
    %scan3A_466 = scf.for %scan3A_594 = %scan3A_462 to %scan3A_464 step %scan3A_465 iter_args(%scan3A_595 = %broadcast_in_dim3A_461) -> (vector<16xi32>)  : i32 {
      %get3A = arith.index_cast %scan3A_594 : i32 to index
      %get3A_596 = arith.constant 400 : index
      %get3A_597 = tpu.vector_load %arg6[%get3A, %get3A_596] {strides = array<i32>} : memref<200x512xi32, #tpu.memory_space<vmem>>, vector<16xi32>,
      %add3A_598 = arith.addi %scan3A_595, %get3A_597 : vector<16xi32>
      scf.yield %add3A_598 : vector<16xi32>
    }
    %scan3A_467 = arith.constant 200 : i32
    %sub3A_468 = arith.constant 1 : i32
    %sub3A_469 = vector.broadcast %sub3A_468 : i32 to vector<16xi32>
    %sub3A_470 = arith.subi %scan3A_466, %sub3A_469 : vector<16xi32>
    %max3A_471 = arith.constant 0 : i32
    %max3A_472 = vector.broadcast %max3A_471 : i32 to vector<16xi32>
    %max3A_473 = arith.maxsi %sub3A_470, %max3A_472 : vector<16xi32>
    %swap3A_474 = arith.constant 400 : index
    %swap3A_475 = tpu.vector_load %arg7[%swap3A_474] {strides = array<i32>} : memref<512xi32, #tpu.memory_space<vmem>>, vector<16xi32>,
    tpu.vector_store %arg7[%swap3A_474], %max3A_473 {strides = array<i32>} : memref<512xi32, #tpu.memory_space<vmem>>, vector<16xi32>,
    %min3A_476 = arith.minsi %min3A_458, %max3A_473 : vector<16xi32>
    %max3A_477 = arith.maxsi %max3A_459, %max3A_473 : vector<16xi32>
    %broadcast_in_dim3A_478 = arith.constant 0 : i32
    %broadcast_in_dim3A_479 = vector.broadcast %broadcast_in_dim3A_478 : i32 to vector<16xi32>
    %scan3A_480 = arith.constant 0 : i32
    %scan3A_481 = arith.constant 200 : i32
    %scan3A_482 = arith.addi %scan3A_480, %scan3A_481 : i32
    %scan3A_483 = arith.constant 1 : i32
    %scan3A_484 = scf.for %scan3A_594 = %scan3A_480 to %scan3A_482 step %scan3A_483 iter_args(%scan3A_595 = %broadcast_in_dim3A_479) -> (vector<16xi32>)  : i32 {
      %get3A = arith.index_cast %scan3A_594 : i32 to index
      %get3A_596 = arith.constant 416 : index
      %get3A_597 = tpu.vector_load %arg6[%get3A, %get3A_596] {strides = array<i32>} : memref<200x512xi32, #tpu.memory_space<vmem>>, vector<16xi32>,
      %add3A_598 = arith.addi %scan3A_595, %get3A_597 : vector<16xi32>
      scf.yield %add3A_598 : vector<16xi32>
    }
    %scan3A_485 = arith.constant 200 : i32
    %sub3A_486 = arith.constant 1 : i32
    %sub3A_487 = vector.broadcast %sub3A_486 : i32 to vector<16xi32>
    %sub3A_488 = arith.subi %scan3A_484, %sub3A_487 : vector<16xi32>
    %max3A_489 = arith.constant 0 : i32
    %max3A_490 = vector.broadcast %max3A_489 : i32 to vector<16xi32>
    %max3A_491 = arith.maxsi %sub3A_488, %max3A_490 : vector<16xi32>
    %swap3A_492 = arith.constant 416 : index
    %swap3A_493 = tpu.vector_load %arg7[%swap3A_492] {strides = array<i32>} : memref<512xi32, #tpu.memory_space<vmem>>, vector<16xi32>,
    tpu.vector_store %arg7[%swap3A_492], %max3A_491 {strides = array<i32>} : memref<512xi32, #tpu.memory_space<vmem>>, vector<16xi32>,
    %min3A_494 = arith.minsi %min3A_476, %max3A_491 : vector<16xi32>
    %max3A_495 = arith.maxsi %max3A_477, %max3A_491 : vector<16xi32>
    %broadcast_in_dim3A_496 = arith.constant 0 : i32
    %broadcast_in_dim3A_497 = vector.broadcast %broadcast_in_dim3A_496 : i32 to vector<16xi32>
    %scan3A_498 = arith.constant 0 : i32
    %scan3A_499 = arith.constant 200 : i32
    %scan3A_500 = arith.addi %scan3A_498, %scan3A_499 : i32
    %scan3A_501 = arith.constant 1 : i32
    %scan3A_502 = scf.for %scan3A_594 = %scan3A_498 to %scan3A_500 step %scan3A_501 iter_args(%scan3A_595 = %broadcast_in_dim3A_497) -> (vector<16xi32>)  : i32 {
      %get3A = arith.index_cast %scan3A_594 : i32 to index
      %get3A_596 = arith.constant 432 : index
      %get3A_597 = tpu.vector_load %arg6[%get3A, %get3A_596] {strides = array<i32>} : memref<200x512xi32, #tpu.memory_space<vmem>>, vector<16xi32>,
      %add3A_598 = arith.addi %scan3A_595, %get3A_597 : vector<16xi32>
      scf.yield %add3A_598 : vector<16xi32>
    }
    %scan3A_503 = arith.constant 200 : i32
    %sub3A_504 = arith.constant 1 : i32
    %sub3A_505 = vector.broadcast %sub3A_504 : i32 to vector<16xi32>
    %sub3A_506 = arith.subi %scan3A_502, %sub3A_505 : vector<16xi32>
    %max3A_507 = arith.constant 0 : i32
    %max3A_508 = vector.broadcast %max3A_507 : i32 to vector<16xi32>
    %max3A_509 = arith.maxsi %sub3A_506, %max3A_508 : vector<16xi32>
    %swap3A_510 = arith.constant 432 : index
    %swap3A_511 = tpu.vector_load %arg7[%swap3A_510] {strides = array<i32>} : memref<512xi32, #tpu.memory_space<vmem>>, vector<16xi32>,
    tpu.vector_store %arg7[%swap3A_510], %max3A_509 {strides = array<i32>} : memref<512xi32, #tpu.memory_space<vmem>>, vector<16xi32>,
    %min3A_512 = arith.minsi %min3A_494, %max3A_509 : vector<16xi32>
    %max3A_513 = arith.maxsi %max3A_495, %max3A_509 : vector<16xi32>
    %broadcast_in_dim3A_514 = arith.constant 0 : i32
    %broadcast_in_dim3A_515 = vector.broadcast %broadcast_in_dim3A_514 : i32 to vector<16xi32>
    %scan3A_516 = arith.constant 0 : i32
    %scan3A_517 = arith.constant 200 : i32
    %scan3A_518 = arith.addi %scan3A_516, %scan3A_517 : i32
    %scan3A_519 = arith.constant 1 : i32
    %scan3A_520 = scf.for %scan3A_594 = %scan3A_516 to %scan3A_518 step %scan3A_519 iter_args(%scan3A_595 = %broadcast_in_dim3A_515) -> (vector<16xi32>)  : i32 {
      %get3A = arith.index_cast %scan3A_594 : i32 to index
      %get3A_596 = arith.constant 448 : index
      %get3A_597 = tpu.vector_load %arg6[%get3A, %get3A_596] {strides = array<i32>} : memref<200x512xi32, #tpu.memory_space<vmem>>, vector<16xi32>,
      %add3A_598 = arith.addi %scan3A_595, %get3A_597 : vector<16xi32>
      scf.yield %add3A_598 : vector<16xi32>
    }
    %scan3A_521 = arith.constant 200 : i32
    %sub3A_522 = arith.constant 1 : i32
    %sub3A_523 = vector.broadcast %sub3A_522 : i32 to vector<16xi32>
    %sub3A_524 = arith.subi %scan3A_520, %sub3A_523 : vector<16xi32>
    %max3A_525 = arith.constant 0 : i32
    %max3A_526 = vector.broadcast %max3A_525 : i32 to vector<16xi32>
    %max3A_527 = arith.maxsi %sub3A_524, %max3A_526 : vector<16xi32>
    %swap3A_528 = arith.constant 448 : index
    %swap3A_529 = tpu.vector_load %arg7[%swap3A_528] {strides = array<i32>} : memref<512xi32, #tpu.memory_space<vmem>>, vector<16xi32>,
    tpu.vector_store %arg7[%swap3A_528], %max3A_527 {strides = array<i32>} : memref<512xi32, #tpu.memory_space<vmem>>, vector<16xi32>,
    %min3A_530 = arith.minsi %min3A_512, %max3A_527 : vector<16xi32>
    %max3A_531 = arith.maxsi %max3A_513, %max3A_527 : vector<16xi32>
    %broadcast_in_dim3A_532 = arith.constant 0 : i32
    %broadcast_in_dim3A_533 = vector.broadcast %broadcast_in_dim3A_532 : i32 to vector<16xi32>
    %scan3A_534 = arith.constant 0 : i32
    %scan3A_535 = arith.constant 200 : i32
    %scan3A_536 = arith.addi %scan3A_534, %scan3A_535 : i32
    %scan3A_537 = arith.constant 1 : i32
    %scan3A_538 = scf.for %scan3A_594 = %scan3A_534 to %scan3A_536 step %scan3A_537 iter_args(%scan3A_595 = %broadcast_in_dim3A_533) -> (vector<16xi32>)  : i32 {
      %get3A = arith.index_cast %scan3A_594 : i32 to index
      %get3A_596 = arith.constant 464 : index
      %get3A_597 = tpu.vector_load %arg6[%get3A, %get3A_596] {strides = array<i32>} : memref<200x512xi32, #tpu.memory_space<vmem>>, vector<16xi32>,
      %add3A_598 = arith.addi %scan3A_595, %get3A_597 : vector<16xi32>
      scf.yield %add3A_598 : vector<16xi32>
    }
    %scan3A_539 = arith.constant 200 : i32
    %sub3A_540 = arith.constant 1 : i32
    %sub3A_541 = vector.broadcast %sub3A_540 : i32 to vector<16xi32>
    %sub3A_542 = arith.subi %scan3A_538, %sub3A_541 : vector<16xi32>
    %max3A_543 = arith.constant 0 : i32
    %max3A_544 = vector.broadcast %max3A_543 : i32 to vector<16xi32>
    %max3A_545 = arith.maxsi %sub3A_542, %max3A_544 : vector<16xi32>
    %swap3A_546 = arith.constant 464 : index
    %swap3A_547 = tpu.vector_load %arg7[%swap3A_546] {strides = array<i32>} : memref<512xi32, #tpu.memory_space<vmem>>, vector<16xi32>,
    tpu.vector_store %arg7[%swap3A_546], %max3A_545 {strides = array<i32>} : memref<512xi32, #tpu.memory_space<vmem>>, vector<16xi32>,
    %min3A_548 = arith.minsi %min3A_530, %max3A_545 : vector<16xi32>
    %max3A_549 = arith.maxsi %max3A_531, %max3A_545 : vector<16xi32>
    %broadcast_in_dim3A_550 = arith.constant 0 : i32
    %broadcast_in_dim3A_551 = vector.broadcast %broadcast_in_dim3A_550 : i32 to vector<16xi32>
    %scan3A_552 = arith.constant 0 : i32
    %scan3A_553 = arith.constant 200 : i32
    %scan3A_554 = arith.addi %scan3A_552, %scan3A_553 : i32
    %scan3A_555 = arith.constant 1 : i32
    %scan3A_556 = scf.for %scan3A_594 = %scan3A_552 to %scan3A_554 step %scan3A_555 iter_args(%scan3A_595 = %broadcast_in_dim3A_551) -> (vector<16xi32>)  : i32 {
      %get3A = arith.index_cast %scan3A_594 : i32 to index
      %get3A_596 = arith.constant 480 : index
      %get3A_597 = tpu.vector_load %arg6[%get3A, %get3A_596] {strides = array<i32>} : memref<200x512xi32, #tpu.memory_space<vmem>>, vector<16xi32>,
      %add3A_598 = arith.addi %scan3A_595, %get3A_597 : vector<16xi32>
      scf.yield %add3A_598 : vector<16xi32>
    }
    %scan3A_557 = arith.constant 200 : i32
    %sub3A_558 = arith.constant 1 : i32
    %sub3A_559 = vector.broadcast %sub3A_558 : i32 to vector<16xi32>
    %sub3A_560 = arith.subi %scan3A_556, %sub3A_559 : vector<16xi32>
    %max3A_561 = arith.constant 0 : i32
    %max3A_562 = vector.broadcast %max3A_561 : i32 to vector<16xi32>
    %max3A_563 = arith.maxsi %sub3A_560, %max3A_562 : vector<16xi32>
    %swap3A_564 = arith.constant 480 : index
    %swap3A_565 = tpu.vector_load %arg7[%swap3A_564] {strides = array<i32>} : memref<512xi32, #tpu.memory_space<vmem>>, vector<16xi32>,
    tpu.vector_store %arg7[%swap3A_564], %max3A_563 {strides = array<i32>} : memref<512xi32, #tpu.memory_space<vmem>>, vector<16xi32>,
    %min3A_566 = arith.minsi %min3A_548, %max3A_563 : vector<16xi32>
    %max3A_567 = arith.maxsi %max3A_549, %max3A_563 : vector<16xi32>
    %broadcast_in_dim3A_568 = arith.constant 0 : i32
    %broadcast_in_dim3A_569 = vector.broadcast %broadcast_in_dim3A_568 : i32 to vector<16xi32>
    %scan3A_570 = arith.constant 0 : i32
    %scan3A_571 = arith.constant 200 : i32
    %scan3A_572 = arith.addi %scan3A_570, %scan3A_571 : i32
    %scan3A_573 = arith.constant 1 : i32
    %scan3A_574 = scf.for %scan3A_594 = %scan3A_570 to %scan3A_572 step %scan3A_573 iter_args(%scan3A_595 = %broadcast_in_dim3A_569) -> (vector<16xi32>)  : i32 {
      %get3A = arith.index_cast %scan3A_594 : i32 to index
      %get3A_596 = arith.constant 496 : index
      %get3A_597 = tpu.vector_load %arg6[%get3A, %get3A_596] {strides = array<i32>} : memref<200x512xi32, #tpu.memory_space<vmem>>, vector<16xi32>,
      %add3A_598 = arith.addi %scan3A_595, %get3A_597 : vector<16xi32>
      scf.yield %add3A_598 : vector<16xi32>
    }
    %scan3A_575 = arith.constant 200 : i32
    %sub3A_576 = arith.constant 1 : i32
    %sub3A_577 = vector.broadcast %sub3A_576 : i32 to vector<16xi32>
    %sub3A_578 = arith.subi %scan3A_574, %sub3A_577 : vector<16xi32>
    %max3A_579 = arith.constant 0 : i32
    %max3A_580 = vector.broadcast %max3A_579 : i32 to vector<16xi32>
    %max3A_581 = arith.maxsi %sub3A_578, %max3A_580 : vector<16xi32>
    %swap3A_582 = arith.constant 496 : index
    %swap3A_583 = tpu.vector_load %arg7[%swap3A_582] {strides = array<i32>} : memref<512xi32, #tpu.memory_space<vmem>>, vector<16xi32>,
    tpu.vector_store %arg7[%swap3A_582], %max3A_581 {strides = array<i32>} : memref<512xi32, #tpu.memory_space<vmem>>, vector<16xi32>,
    %min3A_584 = arith.minsi %min3A_566, %max3A_581 : vector<16xi32>
    %max3A_585 = arith.maxsi %max3A_567, %max3A_581 : vector<16xi32>
    %swap3A_586 = arith.constant 0 : index
    %swap3A_587 = tpu.vector_load %arg8[%swap3A_586] {strides = array<i32>} : memref<16xi32, #tpu.memory_space<vmem>>, vector<16xi32>,
    tpu.vector_store %arg8[%swap3A_586], %min3A_584 {strides = array<i32>} : memref<16xi32, #tpu.memory_space<vmem>>, vector<16xi32>,
    %swap3A_588 = arith.constant 0 : index
    %swap3A_589 = tpu.vector_load %arg9[%swap3A_588] {strides = array<i32>} : memref<16xi32, #tpu.memory_space<vmem>>, vector<16xi32>,
    tpu.vector_store %arg9[%swap3A_588], %max3A_585 {strides = array<i32>} : memref<16xi32, #tpu.memory_space<vmem>>, vector<16xi32>,
    "tpu.region"() ({
      %run_scoped3A = tpu.sem_alloc : memref<!tpu.dma_semaphore, #tpu.memory_space<semaphore_mem>>
      %dma_start3A_594 = tpu.memref_slice %arg3[%mul3A_2] : memref<16384xi32, #tpu.memory_space<hbm>> -> memref<512xi32, #tpu.memory_space<hbm>>
      %dma_start3A_595 = tpu.memref_slice %arg3[%mul3A_2] : memref<16384xi32, #tpu.memory_space<hbm>> -> memref<512xi32, #tpu.memory_space<hbm>>
      tpu.enqueue_dma source(%arg7 : memref<512xi32, #tpu.memory_space<vmem>>) target(%dma_start3A_595 : memref<512xi32, #tpu.memory_space<hbm>>) target_semaphore(%run_scoped3A : memref<!tpu.dma_semaphore, #tpu.memory_space<semaphore_mem>>)
      %dma_wait3A_596 = tpu.memref_slice %arg3[%mul3A_2] : memref<16384xi32, #tpu.memory_space<hbm>> -> memref<512xi32, #tpu.memory_space<hbm>>
      %dma_wait3A_597 = tpu.memref_slice %arg3[%mul3A_2] : memref<16384xi32, #tpu.memory_space<hbm>> -> memref<512xi32, #tpu.memory_space<hbm>>
      tpu.wait_dma2 semaphore(%run_scoped3A : memref<!tpu.dma_semaphore, #tpu.memory_space<semaphore_mem>>) src(%arg7 : memref<512xi32, #tpu.memory_space<vmem>>) dst(%dma_wait3A_597 : memref<512xi32, #tpu.memory_space<hbm>>)
      tpu.yield
    }) : () -> ()
    %mul3A_590 = arith.constant 16 : i32
    %mul3A_591 = arith.muli %add3A, %mul3A_590 : i32
    "tpu.region"() ({
      %run_scoped3A = tpu.sem_alloc : memref<!tpu.dma_semaphore, #tpu.memory_space<semaphore_mem>>
      %dma_start3A_594 = tpu.memref_slice %arg4[%mul3A_591] : memref<512xi32, #tpu.memory_space<hbm>> -> memref<16xi32, #tpu.memory_space<hbm>>
      %dma_start3A_595 = tpu.memref_slice %arg4[%mul3A_591] : memref<512xi32, #tpu.memory_space<hbm>> -> memref<16xi32, #tpu.memory_space<hbm>>
      tpu.enqueue_dma source(%arg8 : memref<16xi32, #tpu.memory_space<vmem>>) target(%dma_start3A_595 : memref<16xi32, #tpu.memory_space<hbm>>) target_semaphore(%run_scoped3A : memref<!tpu.dma_semaphore, #tpu.memory_space<semaphore_mem>>)
      %dma_wait3A_596 = tpu.memref_slice %arg4[%mul3A_591] : memref<512xi32, #tpu.memory_space<hbm>> -> memref<16xi32, #tpu.memory_space<hbm>>
      %dma_wait3A_597 = tpu.memref_slice %arg4[%mul3A_591] : memref<512xi32, #tpu.memory_space<hbm>> -> memref<16xi32, #tpu.memory_space<hbm>>
      tpu.wait_dma2 semaphore(%run_scoped3A : memref<!tpu.dma_semaphore, #tpu.memory_space<semaphore_mem>>) src(%arg8 : memref<16xi32, #tpu.memory_space<vmem>>) dst(%dma_wait3A_597 : memref<16xi32, #tpu.memory_space<hbm>>)
      tpu.yield
    }) : () -> ()
    %mul3A_592 = arith.constant 16 : i32
    %mul3A_593 = arith.muli %add3A, %mul3A_592 : i32
    "tpu.region"() ({
      %run_scoped3A = tpu.sem_alloc : memref<!tpu.dma_semaphore, #tpu.memory_space<semaphore_mem>>
      %dma_start3A_594 = tpu.memref_slice %arg5[%mul3A_593] : memref<512xi32, #tpu.memory_space<hbm>> -> memref<16xi32, #tpu.memory_space<hbm>>
      %dma_start3A_595 = tpu.memref_slice %arg5[%mul3A_593] : memref<512xi32, #tpu.memory_space<hbm>> -> memref<16xi32, #tpu.memory_space<hbm>>
      tpu.enqueue_dma source(%arg9 : memref<16xi32, #tpu.memory_space<vmem>>) target(%dma_start3A_595 : memref<16xi32, #tpu.memory_space<hbm>>) target_semaphore(%run_scoped3A : memref<!tpu.dma_semaphore, #tpu.memory_space<semaphore_mem>>)
      %dma_wait3A_596 = tpu.memref_slice %arg5[%mul3A_593] : memref<512xi32, #tpu.memory_space<hbm>> -> memref<16xi32, #tpu.memory_space<hbm>>
      %dma_wait3A_597 = tpu.memref_slice %arg5[%mul3A_593] : memref<512xi32, #tpu.memory_space<hbm>> -> memref<16xi32, #tpu.memory_space<hbm>>
      tpu.wait_dma2 semaphore(%run_scoped3A : memref<!tpu.dma_semaphore, #tpu.memory_space<semaphore_mem>>) src(%arg9 : memref<16xi32, #tpu.memory_space<vmem>>) dst(%dma_wait3A_597 : memref<16xi32, #tpu.memory_space<hbm>>)
      tpu.yield
    }) : () -> ()
    return
  }
}

module attributes {stable_mosaic.version = 14 : i64} {
  func.func @body(%arg0: i32, %arg1: i32, %arg2: memref<200xi32, #tpu.memory_space<smem>>, %arg3: memref<1x2048xi32, #tpu.memory_space<vmem>>, %arg4: memref<8x64x2048xf32, #tpu.memory_space<vmem>>, %arg5: memref<2048x128xf32, #tpu.memory_space<vmem>>, %arg6: memref<128x2048xf32, #tpu.memory_space<vmem>>) attributes {dimension_semantics = [#tpu.dimension_semantics<parallel>, #tpu.dimension_semantics<arbitrary>], iteration_bounds = array<i64: 8, 25>, scalar_prefetch = 1 : i64, scratch_operands = 1 : i64, tpu.core_type = #tpu.core_type<tc>, window_params = [{transform_indices = @transform_0, window_bounds = array<i64: 1, 2048>}, {transform_indices = @transform_1, window_bounds = array<i64: 8, 64, 2048>}, {transform_indices = @transform_2, window_bounds = array<i64: 2048, 128>}]} {
    %eq3A = arith.constant 0 : i32
    %eq3A_0 = arith.cmpi eq, %arg1, %eq3A : i32
    %convert_element_type3A = arith.extui %eq3A_0 : i1 to i32
    %cond3A = arith.constant 0 : i32
    %cond3A_1 = arith.cmpi ne, %convert_element_type3A, %cond3A : i32
    scf.if %cond3A_1 {
      %get3A_21 = arith.constant 0 : index
      %get3A_22 = arith.constant 0 : index
      %get3A_23 = arith.constant 0 : index
      %get3A_24 = vector.load %arg4[%get3A_21, %get3A_22, %get3A_23] : memref<8x64x2048xf32, #tpu.memory_space<vmem>>, vector<1x64x2048xf32>
      %get3A_25 = vector.shape_cast %get3A_24 : vector<1x64x2048xf32> to vector<64x2048xf32>
      %swap3A = arith.constant 0 : index
      %swap3A_26 = arith.constant 0 : index
      %swap3A_27 = vector.load %arg6[%swap3A, %swap3A_26] : memref<128x2048xf32, #tpu.memory_space<vmem>>, vector<64x2048xf32>
      tpu.vector_store %arg6[%swap3A, %swap3A_26], %get3A_25 {strides = array<i32>} : memref<128x2048xf32, #tpu.memory_space<vmem>>, vector<64x2048xf32>,
      %broadcast_in_dim3A = arith.constant 0.000000e+00 : f32
      %broadcast_in_dim3A_28 = vector.broadcast %broadcast_in_dim3A : f32 to vector<64x2048xf32>
      %swap3A_29 = arith.constant 64 : index
      %swap3A_30 = arith.constant 0 : index
      %swap3A_31 = vector.load %arg6[%swap3A_29, %swap3A_30] : memref<128x2048xf32, #tpu.memory_space<vmem>>, vector<64x2048xf32>
      tpu.vector_store %arg6[%swap3A_29, %swap3A_30], %broadcast_in_dim3A_28 {strides = array<i32>} : memref<128x2048xf32, #tpu.memory_space<vmem>>, vector<64x2048xf32>,
    } else {
    }
    %mul3A = arith.constant 25 : i32
    %mul3A_2 = arith.muli %arg0, %mul3A : i32
    %add3A = arith.addi %mul3A_2, %arg1 : i32
    %get3A = arith.index_cast %add3A : i32 to index
    %get3A_3 = memref.load %arg2[%get3A] : memref<200xi32, #tpu.memory_space<smem>>
    %mul3A_4 = arith.constant 25 : i32
    %mul3A_5 = arith.muli %arg0, %mul3A_4 : i32
    %sub3A = arith.constant 1 : i32
    %sub3A_6 = arith.subi %arg1, %sub3A : i32
    %max3A = arith.constant 0 : i32
    %max3A_7 = arith.maxsi %sub3A_6, %max3A : i32
    %add3A_8 = arith.addi %mul3A_5, %max3A_7 : i32
    %get3A_9 = arith.index_cast %add3A_8 : i32 to index
    %get3A_10 = memref.load %arg2[%get3A_9] : memref<200xi32, #tpu.memory_space<smem>>
    %eq3A_11 = arith.constant 0 : i32
    %eq3A_12 = arith.cmpi eq, %arg1, %eq3A_11 : i32
    %ne3A = arith.cmpi ne, %get3A_3, %get3A_10 : i32
    %or3A = arith.ori %eq3A_12, %ne3A : i1
    %convert_element_type3A_13 = arith.extui %or3A : i1 to i32
    %cond3A_14 = arith.constant 0 : i32
    %cond3A_15 = arith.cmpi ne, %convert_element_type3A_13, %cond3A_14 : i32
    scf.if %cond3A_15 {
      %get3A_21 = arith.constant 0 : index
      %get3A_22 = arith.constant 0 : index
      %get3A_23 = vector.load %arg3[%get3A_21, %get3A_22] : memref<1x2048xi32, #tpu.memory_space<vmem>>, vector<1x2048xi32>
      %get3A_24 = vector.shape_cast %get3A_23 : vector<1x2048xi32> to vector<2048xi32>
      %get3A_25 = arith.constant 64 : index
      %get3A_26 = arith.constant 0 : index
      %get3A_27 = vector.load %arg6[%get3A_25, %get3A_26] : memref<128x2048xf32, #tpu.memory_space<vmem>>, vector<64x2048xf32>
      %mul3A_28 = arith.constant 8 : i32
      %mul3A_29 = arith.muli %get3A_3, %mul3A_28 : i32
      %add3A_30 = arith.constant 0 : i32
      %add3A_31 = arith.addi %mul3A_29, %add3A_30 : i32
      %eq3A_32 = vector.broadcast %add3A_31 : i32 to vector<2048xi32>
      %eq3A_33 = arith.cmpi eq, %get3A_24, %eq3A_32 : vector<2048xi32>
      %broadcast_in_dim3A = vector.shape_cast %eq3A_33 : vector<2048xi1> to vector<1x2048xi1>
      %get3A_34 = arith.constant 0 : index
      %get3A_35 = arith.constant 0 : index
      %get3A_36 = arith.constant 0 : index
      %get3A_37 = vector.load %arg4[%get3A_34, %get3A_35, %get3A_36] : memref<8x64x2048xf32, #tpu.memory_space<vmem>>, vector<1x64x2048xf32>
      %get3A_38 = vector.shape_cast %get3A_37 : vector<1x64x2048xf32> to vector<64x2048xf32>
      %broadcast_in_dim3A_39 = vector.shape_cast %broadcast_in_dim3A : vector<1x2048xi1> to vector<1x2048xi1>
      %broadcast_in_dim3A_40 = vector.broadcast %broadcast_in_dim3A_39 : vector<1x2048xi1> to vector<64x2048xi1>
      %select_n3A = arith.select %broadcast_in_dim3A_40, %get3A_38, %get3A_27 : vector<64x2048xi1>, vector<64x2048xf32>
      %add3A_41 = arith.constant 1 : i32
      %add3A_42 = arith.addi %mul3A_29, %add3A_41 : i32
      %eq3A_43 = vector.broadcast %add3A_42 : i32 to vector<2048xi32>
      %eq3A_44 = arith.cmpi eq, %get3A_24, %eq3A_43 : vector<2048xi32>
      %broadcast_in_dim3A_45 = vector.shape_cast %eq3A_44 : vector<2048xi1> to vector<1x2048xi1>
      %get3A_46 = arith.constant 1 : index
      %get3A_47 = arith.constant 0 : index
      %get3A_48 = arith.constant 0 : index
      %get3A_49 = vector.load %arg4[%get3A_46, %get3A_47, %get3A_48] : memref<8x64x2048xf32, #tpu.memory_space<vmem>>, vector<1x64x2048xf32>
      %get3A_50 = vector.shape_cast %get3A_49 : vector<1x64x2048xf32> to vector<64x2048xf32>
      %broadcast_in_dim3A_51 = vector.shape_cast %broadcast_in_dim3A_45 : vector<1x2048xi1> to vector<1x2048xi1>
      %broadcast_in_dim3A_52 = vector.broadcast %broadcast_in_dim3A_51 : vector<1x2048xi1> to vector<64x2048xi1>
      %select_n3A_53 = arith.select %broadcast_in_dim3A_52, %get3A_50, %select_n3A : vector<64x2048xi1>, vector<64x2048xf32>
      %add3A_54 = arith.constant 2 : i32
      %add3A_55 = arith.addi %mul3A_29, %add3A_54 : i32
      %eq3A_56 = vector.broadcast %add3A_55 : i32 to vector<2048xi32>
      %eq3A_57 = arith.cmpi eq, %get3A_24, %eq3A_56 : vector<2048xi32>
      %broadcast_in_dim3A_58 = vector.shape_cast %eq3A_57 : vector<2048xi1> to vector<1x2048xi1>
      %get3A_59 = arith.constant 2 : index
      %get3A_60 = arith.constant 0 : index
      %get3A_61 = arith.constant 0 : index
      %get3A_62 = vector.load %arg4[%get3A_59, %get3A_60, %get3A_61] : memref<8x64x2048xf32, #tpu.memory_space<vmem>>, vector<1x64x2048xf32>
      %get3A_63 = vector.shape_cast %get3A_62 : vector<1x64x2048xf32> to vector<64x2048xf32>
      %broadcast_in_dim3A_64 = vector.shape_cast %broadcast_in_dim3A_58 : vector<1x2048xi1> to vector<1x2048xi1>
      %broadcast_in_dim3A_65 = vector.broadcast %broadcast_in_dim3A_64 : vector<1x2048xi1> to vector<64x2048xi1>
      %select_n3A_66 = arith.select %broadcast_in_dim3A_65, %get3A_63, %select_n3A_53 : vector<64x2048xi1>, vector<64x2048xf32>
      %add3A_67 = arith.constant 3 : i32
      %add3A_68 = arith.addi %mul3A_29, %add3A_67 : i32
      %eq3A_69 = vector.broadcast %add3A_68 : i32 to vector<2048xi32>
      %eq3A_70 = arith.cmpi eq, %get3A_24, %eq3A_69 : vector<2048xi32>
      %broadcast_in_dim3A_71 = vector.shape_cast %eq3A_70 : vector<2048xi1> to vector<1x2048xi1>
      %get3A_72 = arith.constant 3 : index
      %get3A_73 = arith.constant 0 : index
      %get3A_74 = arith.constant 0 : index
      %get3A_75 = vector.load %arg4[%get3A_72, %get3A_73, %get3A_74] : memref<8x64x2048xf32, #tpu.memory_space<vmem>>, vector<1x64x2048xf32>
      %get3A_76 = vector.shape_cast %get3A_75 : vector<1x64x2048xf32> to vector<64x2048xf32>
      %broadcast_in_dim3A_77 = vector.shape_cast %broadcast_in_dim3A_71 : vector<1x2048xi1> to vector<1x2048xi1>
      %broadcast_in_dim3A_78 = vector.broadcast %broadcast_in_dim3A_77 : vector<1x2048xi1> to vector<64x2048xi1>
      %select_n3A_79 = arith.select %broadcast_in_dim3A_78, %get3A_76, %select_n3A_66 : vector<64x2048xi1>, vector<64x2048xf32>
      %add3A_80 = arith.constant 4 : i32
      %add3A_81 = arith.addi %mul3A_29, %add3A_80 : i32
      %eq3A_82 = vector.broadcast %add3A_81 : i32 to vector<2048xi32>
      %eq3A_83 = arith.cmpi eq, %get3A_24, %eq3A_82 : vector<2048xi32>
      %broadcast_in_dim3A_84 = vector.shape_cast %eq3A_83 : vector<2048xi1> to vector<1x2048xi1>
      %get3A_85 = arith.constant 4 : index
      %get3A_86 = arith.constant 0 : index
      %get3A_87 = arith.constant 0 : index
      %get3A_88 = vector.load %arg4[%get3A_85, %get3A_86, %get3A_87] : memref<8x64x2048xf32, #tpu.memory_space<vmem>>, vector<1x64x2048xf32>
      %get3A_89 = vector.shape_cast %get3A_88 : vector<1x64x2048xf32> to vector<64x2048xf32>
      %broadcast_in_dim3A_90 = vector.shape_cast %broadcast_in_dim3A_84 : vector<1x2048xi1> to vector<1x2048xi1>
      %broadcast_in_dim3A_91 = vector.broadcast %broadcast_in_dim3A_90 : vector<1x2048xi1> to vector<64x2048xi1>
      %select_n3A_92 = arith.select %broadcast_in_dim3A_91, %get3A_89, %select_n3A_79 : vector<64x2048xi1>, vector<64x2048xf32>
      %add3A_93 = arith.constant 5 : i32
      %add3A_94 = arith.addi %mul3A_29, %add3A_93 : i32
      %eq3A_95 = vector.broadcast %add3A_94 : i32 to vector<2048xi32>
      %eq3A_96 = arith.cmpi eq, %get3A_24, %eq3A_95 : vector<2048xi32>
      %broadcast_in_dim3A_97 = vector.shape_cast %eq3A_96 : vector<2048xi1> to vector<1x2048xi1>
      %get3A_98 = arith.constant 5 : index
      %get3A_99 = arith.constant 0 : index
      %get3A_100 = arith.constant 0 : index
      %get3A_101 = vector.load %arg4[%get3A_98, %get3A_99, %get3A_100] : memref<8x64x2048xf32, #tpu.memory_space<vmem>>, vector<1x64x2048xf32>
      %get3A_102 = vector.shape_cast %get3A_101 : vector<1x64x2048xf32> to vector<64x2048xf32>
      %broadcast_in_dim3A_103 = vector.shape_cast %broadcast_in_dim3A_97 : vector<1x2048xi1> to vector<1x2048xi1>
      %broadcast_in_dim3A_104 = vector.broadcast %broadcast_in_dim3A_103 : vector<1x2048xi1> to vector<64x2048xi1>
      %select_n3A_105 = arith.select %broadcast_in_dim3A_104, %get3A_102, %select_n3A_92 : vector<64x2048xi1>, vector<64x2048xf32>
      %add3A_106 = arith.constant 6 : i32
      %add3A_107 = arith.addi %mul3A_29, %add3A_106 : i32
      %eq3A_108 = vector.broadcast %add3A_107 : i32 to vector<2048xi32>
      %eq3A_109 = arith.cmpi eq, %get3A_24, %eq3A_108 : vector<2048xi32>
      %broadcast_in_dim3A_110 = vector.shape_cast %eq3A_109 : vector<2048xi1> to vector<1x2048xi1>
      %get3A_111 = arith.constant 6 : index
      %get3A_112 = arith.constant 0 : index
      %get3A_113 = arith.constant 0 : index
      %get3A_114 = vector.load %arg4[%get3A_111, %get3A_112, %get3A_113] : memref<8x64x2048xf32, #tpu.memory_space<vmem>>, vector<1x64x2048xf32>
      %get3A_115 = vector.shape_cast %get3A_114 : vector<1x64x2048xf32> to vector<64x2048xf32>
      %broadcast_in_dim3A_116 = vector.shape_cast %broadcast_in_dim3A_110 : vector<1x2048xi1> to vector<1x2048xi1>
      %broadcast_in_dim3A_117 = vector.broadcast %broadcast_in_dim3A_116 : vector<1x2048xi1> to vector<64x2048xi1>
      %select_n3A_118 = arith.select %broadcast_in_dim3A_117, %get3A_115, %select_n3A_105 : vector<64x2048xi1>, vector<64x2048xf32>
      %add3A_119 = arith.constant 7 : i32
      %add3A_120 = arith.addi %mul3A_29, %add3A_119 : i32
      %eq3A_121 = vector.broadcast %add3A_120 : i32 to vector<2048xi32>
      %eq3A_122 = arith.cmpi eq, %get3A_24, %eq3A_121 : vector<2048xi32>
      %broadcast_in_dim3A_123 = vector.shape_cast %eq3A_122 : vector<2048xi1> to vector<1x2048xi1>
      %get3A_124 = arith.constant 7 : index
      %get3A_125 = arith.constant 0 : index
      %get3A_126 = arith.constant 0 : index
      %get3A_127 = vector.load %arg4[%get3A_124, %get3A_125, %get3A_126] : memref<8x64x2048xf32, #tpu.memory_space<vmem>>, vector<1x64x2048xf32>
      %get3A_128 = vector.shape_cast %get3A_127 : vector<1x64x2048xf32> to vector<64x2048xf32>
      %broadcast_in_dim3A_129 = vector.shape_cast %broadcast_in_dim3A_123 : vector<1x2048xi1> to vector<1x2048xi1>
      %broadcast_in_dim3A_130 = vector.broadcast %broadcast_in_dim3A_129 : vector<1x2048xi1> to vector<64x2048xi1>
      %select_n3A_131 = arith.select %broadcast_in_dim3A_130, %get3A_128, %select_n3A_118 : vector<64x2048xi1>, vector<64x2048xf32>
      %swap3A = arith.constant 64 : index
      %swap3A_132 = arith.constant 0 : index
      %swap3A_133 = vector.load %arg6[%swap3A, %swap3A_132] : memref<128x2048xf32, #tpu.memory_space<vmem>>, vector<64x2048xf32>
      tpu.vector_store %arg6[%swap3A, %swap3A_132], %select_n3A_131 {strides = array<i32>} : memref<128x2048xf32, #tpu.memory_space<vmem>>, vector<64x2048xf32>,
    } else {
    }
    %eq3A_16 = arith.constant 24 : i32
    %eq3A_17 = arith.cmpi eq, %arg1, %eq3A_16 : i32
    %convert_element_type3A_18 = arith.extui %eq3A_17 : i1 to i32
    %cond3A_19 = arith.constant 0 : i32
    %cond3A_20 = arith.cmpi ne, %convert_element_type3A_18, %cond3A_19 : i32
    scf.if %cond3A_20 {
      %get3A_21 = arith.constant 0 : index
      %get3A_22 = arith.constant 0 : index
      %get3A_23 = vector.load %arg6[%get3A_21, %get3A_22] : memref<128x2048xf32, #tpu.memory_space<vmem>>, vector<128x2048xf32>
      %transpose3A = tpu.transpose %get3A_23, [1, 0] : vector<128x2048xf32> -> vector<2048x128xf32>
      %swap3A = arith.constant 0 : index
      %swap3A_24 = arith.constant 0 : index
      %swap3A_25 = vector.load %arg5[%swap3A, %swap3A_24] : memref<2048x128xf32, #tpu.memory_space<vmem>>, vector<2048x128xf32>
      tpu.vector_store %arg5[%swap3A, %swap3A_24], %transpose3A {strides = array<i32>} : memref<2048x128xf32, #tpu.memory_space<vmem>>, vector<2048x128xf32>,
    } else {
    }
    return
  }
  func.func @transform_0(%arg0: i32, %arg1: i32, %arg2: memref<200xi32, #tpu.memory_space<smem>>) -> (i32, i32) {
    %c0_i32 = arith.constant 0 : i32
    %c0_i32_0 = arith.constant 0 : i32
    return %c0_i32, %arg0 : i32, i32
  }
  func.func @transform_1(%arg0: i32, %arg1: i32, %arg2: memref<200xi32, #tpu.memory_space<smem>>) -> (i32, i32, i32) {
    %mul3A = arith.constant 25 : i32
    %mul3A_0 = arith.muli %arg0, %mul3A : i32
    %add3A = arith.addi %mul3A_0, %arg1 : i32
    %get3A = arith.index_cast %add3A : i32 to index
    %get3A_1 = memref.load %arg2[%get3A] : memref<200xi32, #tpu.memory_space<smem>>
    %c0_i32 = arith.constant 0 : i32
    %c0_i32_2 = arith.constant 0 : i32
    return %get3A_1, %c0_i32, %arg0 : i32, i32, i32
  }
  func.func @transform_2(%arg0: i32, %arg1: i32, %arg2: memref<200xi32, #tpu.memory_space<smem>>) -> (i32, i32) {
    %c0_i32 = arith.constant 0 : i32
    %c0_i32_0 = arith.constant 0 : i32
    return %arg0, %c0_i32 : i32, i32
  }
}

</mosaic_0001>

<sc_bundles>
// kernel: kernel.4.cloned.1.call-start
scs
__scs_entry_jumppad:
0x0: {  	(pc) =	sbr.rel $0x88, $3  }
0x1: {  	(tag) =	ssettag $0x0;
	lr =	simm.s32 $0x1  }
0x2: {  	[smem:$0x3F9F] =	sst lr;
	_ =	strace $0xD0000000  }
0x3: {  	_ = 	snop  }
0x4: {  	_ = 	snop  }
0x5: {  	_ = 	snop  }
0x6: {  	_ = 	snop  }
0x7: {  	_ = 	snop  }
__scs_overlays_trampoline_lowered:
0x8: {  	[smem:$0x3FAE] =	sst s0  }
0x9: {  	[smem:$0x3FAF] =	sst s1  }
0xa: {  	[smem:$0x3FB0] =	sst s2  }
0xb: {  	[smem:$0x3FB1] =	sst s3  }
0xc: {  	[smem:$0x3FB2] =	sst s4  }
0xd: {  	[smem:$0x3FB3] =	sst s5  }
0xe: {  	[smem:$0x3FB4] =	sst s6  }
0xf: {  	[smem:$0x3FB5] =	sst s7  }
0x10: {  	[smem:$0x3FB6] =	sst s8  }
0x11: {  	[smem:$0x3FB7] =	sst s9;
	s0 =	simm.s32 @!p0 $0x0  }
0x12: {  	s1 =	sld [smem:$0x3F9D];
	s0 =	simm.s32 @p0 $0x1  }
0x13: {  	[smem:$0x3FB8] =	sst s0;
	s0 =	simm.s32 @!p1 $0x0  }
0x14: {  	s2 =	sld [smem:$0x3F9C];
	s0 =	simm.s32 @p1 $0x1  }
0x15: {  	[smem:$0x3FB9] =	sst s0;
	s0 =	simm.s32 @!p2 $0x0  }
0x16: {  	s3 =	sld [smem:$0x3FDB];
	s0 =	simm.s32 @p2 $0x1  }
0x17: {  	s4 =	simm.s32 $0x1BF5;
	[smem:$0x3FBB] =	sst s0  }
0x18: {  	s0 =	sld [smem:$0x3F9E];
	_ =	swait.ge [sflag:s4], $0x0  }
0x19: {  	s7 =	sld [smem:$0x3F9F]  }
0x1a: {  	s8 =	sadd.s32 $0xFFFFE003, lr  }
0x1b: {  	s9 =	sadd.s32 $0xFFFFFEF7, lr;
	s5 =	simm.s32 $0xFFFFFFFF;
	p2 =	slt.u32 s8, $0xFFFFF086  }
0x1c: {  	p1 =	slt.u32 s9, $0xF7A;
	s5 =	simm.s32 @!p2 $0x0  }
0x1d: {  	s5 =	simm.s32 @p1 $0x1;
	p0 =	seq.s32 s7, s2  }
0x1e: {  	s7 =	smul.u32 @!p0 $0xF7A, s2;
	p2 =	seq.s32 @!p0 s5, $0x0  }
0x1f: {  	s9 =	smul.u32 $0xF7A, s1;
	s8 =	simm.s32 @!p0 $0x1BF5;
	p2 =	por !p2, p0  }
0x20: {  	[sflag:s8] =	ssyncset.s32 @!p0 $0xFFFFF086;
	s6 =	sadd.s32 @!p0 s3, s7;
	s7 =	simm.s32 @!p0 $0x108  }
0x21: {  	s3 =	sadd.s32 s3, s9;
	s6 =	sadd.s32 @!p0 $0x88, s6;
	s7 =	simm.s32 @p2 $0x1082  }
0x22: {  	[simem:s7], [sflag:s8] =	dma.local @!p0 [hbm:s6], $0xF7A  }
0x23: {  	s9 =	sor.u32 $0xD0000000, s2;
	s6 =	simm.s32 $0x108;
	_ =	swait.ge @!p0 [sflag:s8], $0x0  }
0x24: {  	s3 =	sadd.s32 $0x88, s3;
	s6 =	simm.s32 @!p1 $0x1082;
	[sflag:s4] =	ssyncset.s32 $0xFFFFF086  }
0x25: {  	[simem:s6], [sflag:s4] =	dma.local [hbm:s3], $0xF7A  }
0x26: {  	[smem:$0x3F9F] =	sst s1;
	(tag) =	ssettag s2;
	_ =	strace s9  }
0x27: {  	s1 =	sld [smem:$0x3FAF]  }
0x28: {  	s2 =	sld [smem:$0x3FB0]  }
0x29: {  	s4 =	sld [smem:$0x3FB2]  }
0x2a: {  	p0 =	seq.s32 s5, $0x0;
	s5 =	sld [smem:$0x3FB3]  }
0x2b: {  	s6 =	sld [smem:$0x3FB4]  }
0x2c: {  	s7 =	sld [smem:$0x3FB5]  }
0x2d: {  	s3 =	simm.s32 $0x108;
	s8 =	sld [smem:$0x3FB6]  }
0x2e: {  	s3 =	simm.s32 @!p0 $0x1082;
	s9 =	sld [smem:$0x3FB7]  }
0x2f: {  	lr =	sadd.s32 s0, s3;
	s0 =	sld [smem:$0x3FAE]  }
0x30: {  	s3 =	sld [smem:$0x3FB1]  }
0x31: {  	[smem:$0x3FBA] =	sst s10  }
0x32: {  	s10 =	sld [smem:$0x3FB8];
	_ =	sdelay $0x3  }
0x33: {  	p0 =	seq.s32 s10, $0x1;
	s10 =	sld [smem:$0x3FBA];
	_ =	sdelay $0x3  }
0x34: {  	[smem:$0x3FBA] =	sst s10  }
0x35: {  	s10 =	sld [smem:$0x3FB9];
	_ =	sdelay $0x3  }
0x36: {  	p1 =	seq.s32 s10, $0x1;
	s10 =	sld [smem:$0x3FBA];
	_ =	sdelay $0x3  }
0x37: {  	[smem:$0x3FBA] =	sst s10  }
0x38: {  	s10 =	sld [smem:$0x3FBB]  }
0x39: {  	_ = 	snop;
	(pc) =	sbr.ind lr, $3  }
0x3a: {  	_ = 	snop  }
0x3b: {  	_ = 	snop  }
0x3c: {  	p2 =	seq.s32 s10, $0x1;
	s10 =	sld [smem:$0x3FBA]  }
0x3d: {  	_ =	shalt  }
0x3e: {  	_ =	shalt  }
0x3f: {  	_ =	shalt  }
0x40: {  	_ =	shalt  }
0x41: {  	_ =	shalt  }
0x42: {  	_ =	shalt  }
0x43: {  	_ =	shalt  }
0x44: {  	_ =	shalt  }
0x45: {  	_ =	shalt  }
0x46: {  	_ =	shalt  }
0x47: {  	_ =	shalt  }
0x48: {  	_ =	shalt  }
0x49: {  	_ =	shalt  }
0x4a: {  	_ =	shalt  }
0x4b: {  	_ =	shalt  }
0x4c: {  	_ =	shalt  }
0x4d: {  	_ =	shalt  }
0x4e: {  	_ =	shalt  }
0x4f: {  	_ =	shalt  }
0x50: {  	_ =	shalt  }
0x51: {  	_ =	shalt  }
0x52: {  	_ =	shalt  }
0x53: {  	_ =	shalt  }
0x54: {  	_ =	shalt  }
0x55: {  	_ =	shalt  }
0x56: {  	_ =	shalt  }
0x57: {  	_ =	shalt  }
0x58: {  	_ =	shalt  }
0x59: {  	_ =	shalt  }
0x5a: {  	_ =	shalt  }
0x5b: {  	_ =	shalt  }
0x5c: {  	_ =	shalt  }
0x5d: {  	_ =	shalt  }
0x5e: {  	_ =	shalt  }
0x5f: {  	_ =	shalt  }
0x60: {  	_ =	shalt  }
0x61: {  	_ =	shalt  }
0x62: {  	_ =	shalt  }
0x63: {  	_ =	shalt  }
0x64: {  	_ =	shalt  }
0x65: {  	_ =	shalt  }
0x66: {  	_ =	shalt  }
0x67: {  	_ =	shalt  }
0x68: {  	_ =	shalt  }
0x69: {  	_ =	shalt  }
0x6a: {  	_ =	shalt  }
0x6b: {  	_ =	shalt  }
0x6c: {  	_ =	shalt  }
0x6d: {  	_ =	shalt  }
0x6e: {  	_ =	shalt  }
0x6f: {  	_ =	shalt  }
0x70: {  	_ =	shalt  }
0x71: {  	_ =	shalt  }
0x72: {  	_ =	shalt  }
0x73: {  	_ =	shalt  }
0x74: {  	_ =	shalt  }
0x75: {  	_ =	shalt  }
0x76: {  	_ =	shalt  }
0x77: {  	_ =	shalt  }
0x78: {  	_ =	shalt  }
0x79: {  	_ =	shalt  }
0x7a: {  	_ =	shalt  }
0x7b: {  	_ =	shalt  }
0x7c: {  	_ =	shalt  }
0x7d: {  	_ =	shalt  }
0x7e: {  	_ =	shalt  }
0x7f: {  	_ =	shalt  }
0x80: {  	_ =	shalt  }
0x81: {  	_ =	shalt  }
0x82: {  	_ =	shalt  }
0x83: {  	_ =	shalt  }
0x84: {  	_ =	shalt  }
0x85: {  	_ =	shalt  }
0x86: {  	_ =	shalt  }
0x87: {  	_ =	shalt  }
.Lfunc_end0:
.L_simem_size_0:
called_computation_lowered:
.L_overlay_start_0:
0x88: {  	s2 =	sld [smem:$0x3FD9]  }
0x89: {  	s3 =	sld [smem:$0x3FFE];
	_ =	sdelay $0x1  }
0x8a: {  	s1 =	srdreg.scid  }
0x8b: {  	s0 =	sand.u32 $0x1, s1  }
0x8c: {  	s17 =	sshll.u32 s0, $0xA;
	s2 =	sadd.s32 s3, s2  }
0x8d: {  	s2 =	sadd.s32 s2, s17  }
0x8e: {  	[smem:$0x3FC6] =	sst s2  }
0x8f: {  	_ = 	snop  }
0x90: {  	s2 =	sld [smem:$0x3FC9]  }
0x91: {  	s18 =	sld [smem:$0x3FD0];
	(tm) =	ssettm $0x1  }
0x92: {  	s4 =	sld [smem:$0x3FFB];
	_ =	sdelay $0x3  }
0x93: {  	_ =	strace s4  }
0x94: {  	s4 =	sld [smem:$0x3FFC];
	_ =	sdelay $0x3  }
0x95: {  	_ =	strace s4  }
0x96: {  	s4 =	sld [smem:$0x3FFD];
	_ =	sdelay $0x3  }
0x97: {  	_ =	strace s4  }
0x98: {  	_ =	strace $0x8FFFFFFF  }
0x99: {  	s19 =	sld [smem:$0x3FDB];
	_ =	sdelay $0x1  }
0x9a: {  	s5 =	simm.s32 $_scs_section_size  }
0x9b: {  	s6 =	simm.s32 $_size__tile_overlayer_lowered;
	s7 =	simm.s32 $_tile_overlayer_lowered  }
0x9c: {  	s22 =	simm.s32 $0x1BFF;
	s21 =	sshll.u32 s7, $0x1;
	s4 =	sadd.s32 s5, s19  }
0x9d: {  	s8 =	simm.s32 $0x0;
	s20 =	sshll.u32 s6, $0x1;
	s6 =	sadd.s32 s21, s4  }
0x9e: {  	[timem:s8], [sflag:s22] =	dma.local [hbm:s6], s20  }
0x9f: {  	_ =	swait.ge [sflag:s22], s20  }
0xa0: {  	s5 =	ssub.s32 $0x0, s20;
	[sflag:s22] =	ssyncset.done $0x0  }
0xa1: {  	[sflag:s22] =	ssyncadd.s32 s5;
	_ =	sdelay $0x1  }
0xa2: {  	s23 =	simm.s32 $0x1B8B  }
0xa3: {  	_ =	swait.ge [sflag:s23], $0x1  }
0xa4: {  	[sflag:s23] =	ssyncset.done $0x0  }
0xa5: {  	s25 =	simm.s32 $0x1B8E;
	s24 =	sld [smem:$0x3FFE];
	[sflag:s23] =	ssyncadd.s32 $0xFFFFFFFF  }
0xa6: {  	s26 =	simm.s32 $execute0_lowered;
	[smem:$0x3FD2] =	sst s25  }
0xa7: {  	s6 =	sshll.u32 s26, $0x1;
	_ =	strace $0x80000046;
	[dreg:$0x1] =	wrdreg $0xFFFFFFFF  }
0xa8: {  	s28 =	simm.s32 $_size_execute0_lowered;
	s4 =	sadd.s32 s4, s6;
	[dreg:$0x0] =	wrdreg $0x0  }
0xa9: {  	s6 =	sshll.u32 s28, $0x1;
	[dreg:$0x2] =	wrdreg s4  }
0xaa: {  	[dreg:$0x3] =	wrdreg s6  }
0xab: {  	[dreg:$0x4] =	wrdreg $0xC0  }
0xac: {  	_ =	task [dreg:s8], $0x5FFFF  }
0xad: {  	[dreg:$0x1] =	wrdreg $0xFFFFFFFF  }
0xae: {  	[dreg:$0x0] =	wrdreg $0x60  }
0xaf: {  	[dreg:$0x2] =	wrdreg s2  }
0xb0: {  	[dreg:$0x3] =	wrdreg s18  }
0xb1: {  	[dreg:$0x4] =	wrdreg s24  }
0xb2: {  	[dreg:$0x5] =	wrdreg $0x9  }
0xb3: {  	_ =	task.clear_ibuf [dreg:s8], $0x6FFFF;
	_ =	strace $0x90000046  }
0xb4: {  	s29 =	simm.s32 $0x9;
	_ =	strace $0x80000048  }
0xb5: {  	_ =	swait.ge [sflag:s29], $0x1  }
0xb6: {  	[sflag:s29] =	ssyncadd.s32 $0xFFFFFFFF  }
0xb7: {  	_ =	strace $0x90000048  }
0xb8: {  	_ =	sfence  }
0xb9: {  	s30 =	sld [smem:$0x0];
	_ =	sdelay $0x2  }
0xba: {  	s31 =	sshll.u32 s1, $0xD;
	s1 =	sshrl.u32 s1, $0x2  }
0xbb: {  	s3 =	sand.u32 $0x4000, s31;
	s1 =	sadd.s32 s1, s30  }
0xbc: {  	s0 =	sor.u32 s3, s0;
	s1 =	sshll.u32 s1, $0x11  }
0xbd: {  	s0 =	sor.u32 s1, s0  }
0xbe: {  	s0 =	sadd.s32 $0x8F2B, s0  }
0xbf: {  	[sflag:s0] =	ssyncadd.remote.s32 $0x1  }
0xc0: {  	_ =	sfence.sel $0xFFFF  }
0xc1: {  	[dreg:$0x0] =	wrdreg $0xFFFFFFFF;
	(pc) =	sbr.abs _section_cstart, $3  }
0xc2: {  	[dreg:$0x1] =	wrdreg $0xFFFFFFFF  }
0xc3: {  	_ =	task.clear_ibuf [dreg:s8], $0x2FFFF;
	_ =	strace $0x9FFFFFFF  }
0xc4: {  	(tm) =	ssettm $0x7FFFFFFF  }
0xc5: {  	_ =	shalt  }
tec
execute0_lowered:
.L_overlay_start_1:
0x0: {  	(tag) =	ssettag $0x1  }
0x1: {  	s4 =	rddreg [dreg:$0x0]  }
0x2: {  	s5 =	rddreg [dreg:$0x1]  }
0x3: {  	s3 =	rddreg [dreg:$0x2];
	s2 =	srdreg.scid  }
0x4: {  	s0 =	rddreg [dreg:$0x3];
	s1 =	stileid.u32;
	s10 =	simm.s32 $0x1  }
0x5: {  	s11 =	simm.s32 $0x19000;
	s12 =	simm.s32 $0x2;
	s13 =	simm.s32 $0x19200  }
0x6: {  	s14 =	simm.s32 $0x19280;
	s15 =	simm.s32 $0x0;
	s6 =	sand.u32 $0x1, s2  }
0x7: {  	s2 =	simm.s32 $0x0;
	s8 =	sshll.u32 s1, $0x1;
	s7 =	ssub.s32 $0x2, s6  }
0x8: {  	[smem:$0x7FF] =	sst s2;
	s6 =	sor.u32 s6, s8;
	s9 =	sshrl.u32 s7, $0x1  }
0x9: {  	_ =	strace $0x80000047;
	s8 =	sshll.u32 s6, $0x1;
	s31 =	sshll.u32 s6, $0x9  }
0xa: {  	s6 =	sshll.u32 s6, $0x6;
	s7 =	ssub.s32 s7, s9;
	s3 =	sadd.s32 s3, s8  }
0xb: {  	s4 =	sadd.s32 s4, s31;
	s5 =	sadd.s32 s5, s6;
	s8 =	simm.s32 $0x1000  }
0xc: {  	s9 =	simm.s32 $0x20000;
	s6 =	sadd.s32 $0x200, s3;
	s7 =	smax.u32 s7, $0x1  }
.LBB2_1:
0xd: {  	[tilespmem:s2], [sflag:$0x1] =	stream.strided.gather [hbm4b:s4+s8], $0x19000, s9, s8, $0x38;
	[tilespmem:$0x19300] =	vst v63  }
0xe: {  	_ =	swait.ge [sflag:s10], $0x19000  }
0xf: {  	s16 =	sand.u32 $0x1F000, s2;
	s17 =	sand.u32 $0x380, s2;
	[sflag:s10] =	ssyncset.done $0x0  }
0x10: {  	s17 =	sor.u32 s17, s16;
	[sflag:s10] =	ssyncadd.s32 $0xFFFE7000  }
0x11: {  	v0 =	vimm.s32 $0x0;
	s16 =	simm.s32 $0x200;
	v1 =	vld [tilespmem:s17+$0x0];
	s17 =	simm.s32 $0x0  }
.LBB2_2:
0x12: {  	p0 =	sne.s32 s16, $0x18E00  }
.Ltmp0:
0x13: {  	_ = 	snop;
	(pc) =	sbr.rel @p0 .LBB2_2-.Ltmp0, $4  }
0x14: {  	s17 =	sadd.s32 $0x80, s17  }
0x15: {  	s18 =	sand.u32 $0x1F000, s16;
	s19 =	sand.u32 $0x380, s17  }
0x16: {  	s18 =	sor.u32 s19, s18  }
0x17: {  	s16 =	sadd.s32 $0x200, s16;
	v0 =	vadd.s32 v0, v1;
	v1 =	vld [tilespmem:s18+$0x0]  }
0x18: {  	_ =	sdelay $0x3  }
0x19: {  	v0 =	vadd.s32 v0, v1  }
0x1a: {  	v0 =	vadd.s32 $0xFFFFFFFF, v0  }
0x1b: {  	s16 =	simm.s32 $0x0;
	vm0 =	vgt.s32 v0, $0x0  }
0x1c: {  	s17 =	sand.u32 $0x1F000, s16;
	s18 =	sand.u32 $0x380, s16;
	v0 =	vnsel vm0, $0x0, v0  }
0x1d: {  	s18 =	sor.u32 s18, s17;
	[tilespmem:$0x19000] =	vst v0  }
0x1e: {  	s17 =	simm.s32 $0x200;
	v1 =	vimm.s32 $0x0;
	v2 =	vld [tilespmem:s18+$0x10]  }
.LBB2_4:
0x1f: {  	p0 =	sne.s32 s17, $0x18E00  }
.Ltmp1:
0x20: {  	_ = 	snop;
	(pc) =	sbr.rel @p0 .LBB2_4-.Ltmp1, $4  }
0x21: {  	s16 =	sadd.s32 $0x80, s16  }
0x22: {  	s18 =	sand.u32 $0x1F000, s17;
	s19 =	sand.u32 $0x380, s16  }
0x23: {  	s18 =	sor.u32 s19, s18  }
0x24: {  	s17 =	sadd.s32 $0x200, s17;
	v1 =	vadd.s32 v1, v2;
	v2 =	vld [tilespmem:s18+$0x10]  }
0x25: {  	_ =	sdelay $0x3  }
0x26: {  	v1 =	vadd.s32 v1, v2  }
0x27: {  	v1 =	vadd.s32 $0xFFFFFFFF, v1  }
0x28: {  	s16 =	simm.s32 $0x0;
	vm0 =	vgt.s32 v1, $0x0  }
0x29: {  	s17 =	sand.u32 $0x1F000, s16;
	s18 =	sand.u32 $0x380, s16;
	v1 =	vnsel vm0, $0x0, v1  }
0x2a: {  	s18 =	sor.u32 s18, s17;
	[tilespmem:$0x19010] =	vst v1  }
0x2b: {  	s17 =	simm.s32 $0x200;
	v2 =	vimm.s32 $0x0;
	v3 =	vld [tilespmem:s18+$0x20]  }
.LBB2_6:
0x2c: {  	p0 =	sne.s32 s17, $0x18E00  }
.Ltmp2:
0x2d: {  	_ = 	snop;
	(pc) =	sbr.rel @p0 .LBB2_6-.Ltmp2, $4  }
0x2e: {  	s16 =	sadd.s32 $0x80, s16  }
0x2f: {  	s18 =	sand.u32 $0x1F000, s17;
	s19 =	sand.u32 $0x380, s16  }
0x30: {  	s18 =	sor.u32 s19, s18  }
0x31: {  	s17 =	sadd.s32 $0x200, s17;
	v2 =	vadd.s32 v2, v3;
	v3 =	vld [tilespmem:s18+$0x20]  }
0x32: {  	_ =	sdelay $0x3  }
0x33: {  	v2 =	vadd.s32 v2, v3  }
0x34: {  	v2 =	vadd.s32 $0xFFFFFFFF, v2  }
0x35: {  	s16 =	simm.s32 $0x0;
	vm0 =	vgt.s32 v2, $0x0  }
0x36: {  	s17 =	sand.u32 $0x1F000, s16;
	s18 =	sand.u32 $0x380, s16;
	v2 =	vnsel vm0, $0x0, v2  }
0x37: {  	s18 =	sor.u32 s18, s17;
	[tilespmem:$0x19020] =	vst v2  }
0x38: {  	s17 =	simm.s32 $0x200;
	v3 =	vimm.s32 $0x0;
	v4 =	vld [tilespmem:s18+$0x30]  }
.LBB2_8:
0x39: {  	p0 =	sne.s32 s17, $0x18E00  }
.Ltmp3:
0x3a: {  	_ = 	snop;
	(pc) =	sbr.rel @p0 .LBB2_8-.Ltmp3, $4  }
0x3b: {  	s16 =	sadd.s32 $0x80, s16  }
0x3c: {  	s18 =	sand.u32 $0x1F000, s17;
	s19 =	sand.u32 $0x380, s16  }
0x3d: {  	s18 =	sor.u32 s19, s18  }
0x3e: {  	s17 =	sadd.s32 $0x200, s17;
	v3 =	vadd.s32 v3, v4;
	v4 =	vld [tilespmem:s18+$0x30]  }
0x3f: {  	_ =	sdelay $0x3  }
0x40: {  	v3 =	vadd.s32 v3, v4  }
0x41: {  	v3 =	vadd.s32 $0xFFFFFFFF, v3  }
0x42: {  	s16 =	simm.s32 $0x0;
	vm0 =	vgt.s32 v3, $0x0  }
0x43: {  	s17 =	sand.u32 $0x1F000, s16;
	s18 =	sand.u32 $0x380, s16;
	v3 =	vnsel vm0, $0x0, v3  }
0x44: {  	s18 =	sor.u32 s18, s17;
	[tilespmem:$0x19030] =	vst v3  }
0x45: {  	s17 =	simm.s32 $0x200;
	v4 =	vimm.s32 $0x0;
	v5 =	vld [tilespmem:s18+$0x40]  }
.LBB2_10:
0x46: {  	p0 =	sne.s32 s17, $0x18E00  }
.Ltmp4:
0x47: {  	_ = 	snop;
	(pc) =	sbr.rel @p0 .LBB2_10-.Ltmp4, $4  }
0x48: {  	s16 =	sadd.s32 $0x80, s16  }
0x49: {  	s18 =	sand.u32 $0x1F000, s17;
	s19 =	sand.u32 $0x380, s16  }
0x4a: {  	s18 =	sor.u32 s19, s18  }
0x4b: {  	s17 =	sadd.s32 $0x200, s17;
	v4 =	vadd.s32 v4, v5;
	v5 =	vld [tilespmem:s18+$0x40]  }
0x4c: {  	_ =	sdelay $0x3  }
0x4d: {  	v4 =	vadd.s32 v4, v5  }
0x4e: {  	v4 =	vadd.s32 $0xFFFFFFFF, v4  }
0x4f: {  	s16 =	simm.s32 $0x0;
	vm0 =	vgt.s32 v4, $0x0  }
0x50: {  	s17 =	sand.u32 $0x1F000, s16;
	s18 =	sand.u32 $0x380, s16;
	v4 =	vnsel vm0, $0x0, v4  }
0x51: {  	s18 =	sor.u32 s18, s17;
	[tilespmem:$0x19040] =	vst v4  }
0x52: {  	s17 =	simm.s32 $0x200;
	v5 =	vimm.s32 $0x0;
	v6 =	vld [tilespmem:s18+$0x50]  }
.LBB2_12:
0x53: {  	p0 =	sne.s32 s17, $0x18E00  }
.Ltmp5:
0x54: {  	_ = 	snop;
	(pc) =	sbr.rel @p0 .LBB2_12-.Ltmp5, $4  }
0x55: {  	s16 =	sadd.s32 $0x80, s16  }
0x56: {  	s18 =	sand.u32 $0x1F000, s17;
	s19 =	sand.u32 $0x380, s16  }
0x57: {  	s18 =	sor.u32 s19, s18  }
0x58: {  	s17 =	sadd.s32 $0x200, s17;
	v5 =	vadd.s32 v5, v6;
	v6 =	vld [tilespmem:s18+$0x50]  }
0x59: {  	_ =	sdelay $0x3  }
0x5a: {  	v5 =	vadd.s32 v5, v6  }
0x5b: {  	v5 =	vadd.s32 $0xFFFFFFFF, v5  }
0x5c: {  	s16 =	simm.s32 $0x0;
	vm0 =	vgt.s32 v5, $0x0  }
0x5d: {  	s17 =	sand.u32 $0x1F000, s16;
	s18 =	sand.u32 $0x380, s16;
	v5 =	vnsel vm0, $0x0, v5  }
0x5e: {  	s18 =	sor.u32 s18, s17;
	[tilespmem:$0x19050] =	vst v5  }
0x5f: {  	s17 =	simm.s32 $0x200;
	v6 =	vimm.s32 $0x0;
	v7 =	vld [tilespmem:s18+$0x60]  }
.LBB2_14:
0x60: {  	p0 =	sne.s32 s17, $0x18E00  }
.Ltmp6:
0x61: {  	_ = 	snop;
	(pc) =	sbr.rel @p0 .LBB2_14-.Ltmp6, $4  }
0x62: {  	s16 =	sadd.s32 $0x80, s16  }
0x63: {  	s18 =	sand.u32 $0x1F000, s17;
	s19 =	sand.u32 $0x380, s16  }
0x64: {  	s18 =	sor.u32 s19, s18  }
0x65: {  	s17 =	sadd.s32 $0x200, s17;
	v6 =	vadd.s32 v6, v7;
	v7 =	vld [tilespmem:s18+$0x60]  }
0x66: {  	_ =	sdelay $0x3  }
0x67: {  	v6 =	vadd.s32 v6, v7  }
0x68: {  	v6 =	vadd.s32 $0xFFFFFFFF, v6  }
0x69: {  	s16 =	simm.s32 $0x0;
	vm0 =	vgt.s32 v6, $0x0  }
0x6a: {  	s17 =	sand.u32 $0x1F000, s16;
	s18 =	sand.u32 $0x380, s16;
	v6 =	vnsel vm0, $0x0, v6  }
0x6b: {  	s18 =	sor.u32 s18, s17;
	[tilespmem:$0x19060] =	vst v6  }
0x6c: {  	s17 =	simm.s32 $0x200;
	v7 =	vimm.s32 $0x0;
	v8 =	vld [tilespmem:s18+$0x70]  }
.LBB2_16:
0x6d: {  	p0 =	sne.s32 s17, $0x18E00  }
.Ltmp7:
0x6e: {  	_ = 	snop;
	(pc) =	sbr.rel @p0 .LBB2_16-.Ltmp7, $4  }
0x6f: {  	s16 =	sadd.s32 $0x80, s16  }
0x70: {  	s18 =	sand.u32 $0x1F000, s17;
	s19 =	sand.u32 $0x380, s16  }
0x71: {  	s18 =	sor.u32 s19, s18  }
0x72: {  	s17 =	sadd.s32 $0x200, s17;
	v7 =	vadd.s32 v7, v8;
	v8 =	vld [tilespmem:s18+$0x70]  }
0x73: {  	_ =	sdelay $0x3  }
0x74: {  	v7 =	vadd.s32 v7, v8  }
0x75: {  	v7 =	vadd.s32 $0xFFFFFFFF, v7  }
0x76: {  	s16 =	simm.s32 $0x0;
	vm0 =	vgt.s32 v7, $0x0  }
0x77: {  	s17 =	sand.u32 $0x1F000, s16;
	s18 =	sand.u32 $0x380, s16;
	v7 =	vnsel vm0, $0x0, v7  }
0x78: {  	s18 =	sor.u32 s18, s17;
	[tilespmem:$0x19070] =	vst v7  }
0x79: {  	s17 =	simm.s32 $0x200;
	v8 =	vimm.s32 $0x0;
	v9 =	vld [tilespmem:s18+$0x400]  }
.LBB2_18:
0x7a: {  	p0 =	sne.s32 s17, $0x18E00  }
.Ltmp8:
0x7b: {  	_ = 	snop;
	(pc) =	sbr.rel @p0 .LBB2_18-.Ltmp8, $4  }
0x7c: {  	s16 =	sadd.s32 $0x80, s16  }
0x7d: {  	s18 =	sand.u32 $0x1F000, s17;
	s19 =	sand.u32 $0x380, s16  }
0x7e: {  	s18 =	sor.u32 s19, s18  }
0x7f: {  	s17 =	sadd.s32 $0x200, s17;
	v8 =	vadd.s32 v8, v9;
	v9 =	vld [tilespmem:s18+$0x400]  }
0x80: {  	_ =	sdelay $0x3  }
0x81: {  	v8 =	vadd.s32 v8, v9  }
0x82: {  	v8 =	vadd.s32 $0xFFFFFFFF, v8  }
0x83: {  	s16 =	simm.s32 $0x0;
	vm0 =	vgt.s32 v8, $0x0  }
0x84: {  	s17 =	sand.u32 $0x1F000, s16;
	s18 =	sand.u32 $0x380, s16;
	v8 =	vnsel vm0, $0x0, v8  }
0x85: {  	s18 =	sor.u32 s18, s17;
	[tilespmem:$0x19080] =	vst v8  }
0x86: {  	s17 =	simm.s32 $0x200;
	v9 =	vimm.s32 $0x0;
	v10 =	vld [tilespmem:s18+$0x410]  }
.LBB2_20:
0x87: {  	p0 =	sne.s32 s17, $0x18E00  }
.Ltmp9:
0x88: {  	_ = 	snop;
	(pc) =	sbr.rel @p0 .LBB2_20-.Ltmp9, $4  }
0x89: {  	s16 =	sadd.s32 $0x80, s16  }
0x8a: {  	s18 =	sand.u32 $0x1F000, s17;
	s19 =	sand.u32 $0x380, s16  }
0x8b: {  	s18 =	sor.u32 s19, s18  }
0x8c: {  	s17 =	sadd.s32 $0x200, s17;
	v9 =	vadd.s32 v9, v10;
	v10 =	vld [tilespmem:s18+$0x410]  }
0x8d: {  	_ =	sdelay $0x3  }
0x8e: {  	v9 =	vadd.s32 v9, v10  }
0x8f: {  	v9 =	vadd.s32 $0xFFFFFFFF, v9  }
0x90: {  	s16 =	simm.s32 $0x0;
	vm0 =	vgt.s32 v9, $0x0  }
0x91: {  	s17 =	sand.u32 $0x1F000, s16;
	s18 =	sand.u32 $0x380, s16;
	v9 =	vnsel vm0, $0x0, v9  }
0x92: {  	s18 =	sor.u32 s18, s17;
	[tilespmem:$0x19090] =	vst v9  }
0x93: {  	s17 =	simm.s32 $0x200;
	v10 =	vimm.s32 $0x0;
	v11 =	vld [tilespmem:s18+$0x420]  }
.LBB2_22:
0x94: {  	p0 =	sne.s32 s17, $0x18E00  }
.Ltmp10:
0x95: {  	_ = 	snop;
	(pc) =	sbr.rel @p0 .LBB2_22-.Ltmp10, $4  }
0x96: {  	s16 =	sadd.s32 $0x80, s16  }
0x97: {  	s18 =	sand.u32 $0x1F000, s17;
	s19 =	sand.u32 $0x380, s16  }
0x98: {  	s18 =	sor.u32 s19, s18  }
0x99: {  	s17 =	sadd.s32 $0x200, s17;
	v10 =	vadd.s32 v10, v11;
	v11 =	vld [tilespmem:s18+$0x420]  }
0x9a: {  	_ =	sdelay $0x3  }
0x9b: {  	v10 =	vadd.s32 v10, v11  }
0x9c: {  	v10 =	vadd.s32 $0xFFFFFFFF, v10  }
0x9d: {  	s16 =	simm.s32 $0x0;
	vm0 =	vgt.s32 v10, $0x0  }
0x9e: {  	s17 =	sand.u32 $0x1F000, s16;
	s18 =	sand.u32 $0x380, s16;
	v10 =	vnsel vm0, $0x0, v10  }
0x9f: {  	s18 =	sor.u32 s18, s17;
	[tilespmem:$0x190A0] =	vst v10  }
0xa0: {  	s17 =	simm.s32 $0x200;
	v11 =	vimm.s32 $0x0;
	v12 =	vld [tilespmem:s18+$0x430]  }
.LBB2_24:
0xa1: {  	p0 =	sne.s32 s17, $0x18E00  }
.Ltmp11:
0xa2: {  	_ = 	snop;
	(pc) =	sbr.rel @p0 .LBB2_24-.Ltmp11, $4  }
0xa3: {  	s16 =	sadd.s32 $0x80, s16  }
0xa4: {  	s18 =	sand.u32 $0x1F000, s17;
	s19 =	sand.u32 $0x380, s16  }
0xa5: {  	s18 =	sor.u32 s19, s18  }
0xa6: {  	s17 =	sadd.s32 $0x200, s17;
	v11 =	vadd.s32 v11, v12;
	v12 =	vld [tilespmem:s18+$0x430]  }
0xa7: {  	_ =	sdelay $0x3  }
0xa8: {  	v11 =	vadd.s32 v11, v12  }
0xa9: {  	v11 =	vadd.s32 $0xFFFFFFFF, v11  }
0xaa: {  	s16 =	simm.s32 $0x0;
	vm0 =	vgt.s32 v11, $0x0  }
0xab: {  	s17 =	sand.u32 $0x1F000, s16;
	s18 =	sand.u32 $0x380, s16;
	v11 =	vnsel vm0, $0x0, v11  }
0xac: {  	s18 =	sor.u32 s18, s17;
	[tilespmem:$0x190B0] =	vst v11  }
0xad: {  	s17 =	simm.s32 $0x200;
	v12 =	vimm.s32 $0x0;
	v13 =	vld [tilespmem:s18+$0x440]  }
.LBB2_26:
0xae: {  	p0 =	sne.s32 s17, $0x18E00  }
.Ltmp12:
0xaf: {  	_ = 	snop;
	(pc) =	sbr.rel @p0 .LBB2_26-.Ltmp12, $4  }
0xb0: {  	s16 =	sadd.s32 $0x80, s16  }
0xb1: {  	s18 =	sand.u32 $0x1F000, s17;
	s19 =	sand.u32 $0x380, s16  }
0xb2: {  	s18 =	sor.u32 s19, s18  }
0xb3: {  	s17 =	sadd.s32 $0x200, s17;
	v12 =	vadd.s32 v12, v13;
	v13 =	vld [tilespmem:s18+$0x440]  }
0xb4: {  	_ =	sdelay $0x3  }
0xb5: {  	v12 =	vadd.s32 v12, v13  }
0xb6: {  	v12 =	vadd.s32 $0xFFFFFFFF, v12  }
0xb7: {  	s16 =	simm.s32 $0x0;
	vm0 =	vgt.s32 v12, $0x0  }
0xb8: {  	s17 =	sand.u32 $0x1F000, s16;
	s18 =	sand.u32 $0x380, s16;
	v12 =	vnsel vm0, $0x0, v12  }
0xb9: {  	s18 =	sor.u32 s18, s17;
	[tilespmem:$0x190C0] =	vst v12  }
0xba: {  	s17 =	simm.s32 $0x200;
	v13 =	vimm.s32 $0x0;
	v14 =	vld [tilespmem:s18+$0x450]  }
.LBB2_28:
0xbb: {  	p0 =	sne.s32 s17, $0x18E00  }
.Ltmp13:
0xbc: {  	_ = 	snop;
	(pc) =	sbr.rel @p0 .LBB2_28-.Ltmp13, $4  }
0xbd: {  	s16 =	sadd.s32 $0x80, s16  }
0xbe: {  	s18 =	sand.u32 $0x1F000, s17;
	s19 =	sand.u32 $0x380, s16  }
0xbf: {  	s18 =	sor.u32 s19, s18  }
0xc0: {  	s17 =	sadd.s32 $0x200, s17;
	v13 =	vadd.s32 v13, v14;
	v14 =	vld [tilespmem:s18+$0x450]  }
0xc1: {  	_ =	sdelay $0x3  }
0xc2: {  	v13 =	vadd.s32 v13, v14  }
0xc3: {  	v13 =	vadd.s32 $0xFFFFFFFF, v13  }
0xc4: {  	s16 =	simm.s32 $0x0;
	vm0 =	vgt.s32 v13, $0x0  }
0xc5: {  	s17 =	sand.u32 $0x1F000, s16;
	s18 =	sand.u32 $0x380, s16;
	v13 =	vnsel vm0, $0x0, v13  }
0xc6: {  	s18 =	sor.u32 s18, s17;
	[tilespmem:$0x190D0] =	vst v13  }
0xc7: {  	s17 =	simm.s32 $0x200;
	v14 =	vimm.s32 $0x0;
	v15 =	vld [tilespmem:s18+$0x460]  }
.LBB2_30:
0xc8: {  	p0 =	sne.s32 s17, $0x18E00  }
.Ltmp14:
0xc9: {  	_ = 	snop;
	(pc) =	sbr.rel @p0 .LBB2_30-.Ltmp14, $4  }
0xca: {  	s16 =	sadd.s32 $0x80, s16  }
0xcb: {  	s18 =	sand.u32 $0x1F000, s17;
	s19 =	sand.u32 $0x380, s16  }
0xcc: {  	s18 =	sor.u32 s19, s18  }
0xcd: {  	s17 =	sadd.s32 $0x200, s17;
	v14 =	vadd.s32 v14, v15;
	v15 =	vld [tilespmem:s18+$0x460]  }
0xce: {  	_ =	sdelay $0x3  }
0xcf: {  	v14 =	vadd.s32 v14, v15  }
0xd0: {  	v14 =	vadd.s32 $0xFFFFFFFF, v14  }
0xd1: {  	s16 =	simm.s32 $0x0;
	vm0 =	vgt.s32 v14, $0x0  }
0xd2: {  	s17 =	sand.u32 $0x1F000, s16;
	s18 =	sand.u32 $0x380, s16;
	v14 =	vnsel vm0, $0x0, v14  }
0xd3: {  	s18 =	sor.u32 s18, s17;
	[tilespmem:$0x190E0] =	vst v14  }
0xd4: {  	s17 =	simm.s32 $0x200;
	v15 =	vimm.s32 $0x0;
	v16 =	vld [tilespmem:s18+$0x470]  }
.LBB2_32:
0xd5: {  	p0 =	sne.s32 s17, $0x18E00  }
.Ltmp15:
0xd6: {  	_ = 	snop;
	(pc) =	sbr.rel @p0 .LBB2_32-.Ltmp15, $4  }
0xd7: {  	s16 =	sadd.s32 $0x80, s16  }
0xd8: {  	s18 =	sand.u32 $0x1F000, s17;
	s19 =	sand.u32 $0x380, s16  }
0xd9: {  	s18 =	sor.u32 s19, s18  }
0xda: {  	s17 =	sadd.s32 $0x200, s17;
	v15 =	vadd.s32 v15, v16;
	v16 =	vld [tilespmem:s18+$0x470]  }
0xdb: {  	_ =	sdelay $0x3  }
0xdc: {  	v15 =	vadd.s32 v15, v16  }
0xdd: {  	v15 =	vadd.s32 $0xFFFFFFFF, v15  }
0xde: {  	s16 =	simm.s32 $0x0;
	vm0 =	vgt.s32 v15, $0x0  }
0xdf: {  	s17 =	sand.u32 $0x1F000, s16;
	s18 =	sand.u32 $0x380, s16;
	v15 =	vnsel vm0, $0x0, v15  }
0xe0: {  	s18 =	sor.u32 s18, s17;
	[tilespmem:$0x190F0] =	vst v15  }
0xe1: {  	s17 =	simm.s32 $0x200;
	v16 =	vimm.s32 $0x0;
	v17 =	vld [tilespmem:s18+$0x800]  }
.LBB2_34:
0xe2: {  	p0 =	sne.s32 s17, $0x18E00  }
.Ltmp16:
0xe3: {  	_ = 	snop;
	(pc) =	sbr.rel @p0 .LBB2_34-.Ltmp16, $4  }
0xe4: {  	s16 =	sadd.s32 $0x80, s16  }
0xe5: {  	s18 =	sand.u32 $0x1F000, s17;
	s19 =	sand.u32 $0x380, s16  }
0xe6: {  	s18 =	sor.u32 s19, s18  }
0xe7: {  	s17 =	sadd.s32 $0x200, s17;
	v16 =	vadd.s32 v16, v17;
	v17 =	vld [tilespmem:s18+$0x800]  }
0xe8: {  	_ =	sdelay $0x3  }
0xe9: {  	v16 =	vadd.s32 v16, v17  }
0xea: {  	v16 =	vadd.s32 $0xFFFFFFFF, v16  }
0xeb: {  	s16 =	simm.s32 $0x0;
	vm0 =	vgt.s32 v16, $0x0  }
0xec: {  	s17 =	sand.u32 $0x1F000, s16;
	s18 =	sand.u32 $0x380, s16;
	v16 =	vnsel vm0, $0x0, v16  }
0xed: {  	s18 =	sor.u32 s18, s17;
	[tilespmem:$0x19100] =	vst v16  }
0xee: {  	s17 =	simm.s32 $0x200;
	v17 =	vimm.s32 $0x0;
	v18 =	vld [tilespmem:s18+$0x810]  }
.LBB2_36:
0xef: {  	p0 =	sne.s32 s17, $0x18E00  }
.Ltmp17:
0xf0: {  	_ = 	snop;
	(pc) =	sbr.rel @p0 .LBB2_36-.Ltmp17, $4  }
0xf1: {  	s16 =	sadd.s32 $0x80, s16  }
0xf2: {  	s18 =	sand.u32 $0x1F000, s17;
	s19 =	sand.u32 $0x380, s16  }
0xf3: {  	s18 =	sor.u32 s19, s18  }
0xf4: {  	s17 =	sadd.s32 $0x200, s17;
	v17 =	vadd.s32 v17, v18;
	v18 =	vld [tilespmem:s18+$0x810]  }
0xf5: {  	_ =	sdelay $0x3  }
0xf6: {  	v17 =	vadd.s32 v17, v18  }
0xf7: {  	v17 =	vadd.s32 $0xFFFFFFFF, v17  }
0xf8: {  	s16 =	simm.s32 $0x0;
	vm0 =	vgt.s32 v17, $0x0  }
0xf9: {  	s17 =	sand.u32 $0x1F000, s16;
	s18 =	sand.u32 $0x380, s16;
	v17 =	vnsel vm0, $0x0, v17  }
0xfa: {  	s18 =	sor.u32 s18, s17;
	[tilespmem:$0x19110] =	vst v17  }
0xfb: {  	s17 =	simm.s32 $0x200;
	v18 =	vimm.s32 $0x0;
	v19 =	vld [tilespmem:s18+$0x820]  }
.LBB2_38:
0xfc: {  	p0 =	sne.s32 s17, $0x18E00  }
.Ltmp18:
0xfd: {  	_ = 	snop;
	(pc) =	sbr.rel @p0 .LBB2_38-.Ltmp18, $4  }
0xfe: {  	s16 =	sadd.s32 $0x80, s16  }
0xff: {  	s18 =	sand.u32 $0x1F000, s17;
	s19 =	sand.u32 $0x380, s16  }
0x100: {  	s18 =	sor.u32 s19, s18  }
0x101: {  	s17 =	sadd.s32 $0x200, s17;
	v18 =	vadd.s32 v18, v19;
	v19 =	vld [tilespmem:s18+$0x820]  }
0x102: {  	_ =	sdelay $0x3  }
0x103: {  	v18 =	vadd.s32 v18, v19  }
0x104: {  	v18 =	vadd.s32 $0xFFFFFFFF, v18  }
0x105: {  	s16 =	simm.s32 $0x0;
	vm0 =	vgt.s32 v18, $0x0  }
0x106: {  	s17 =	sand.u32 $0x1F000, s16;
	s18 =	sand.u32 $0x380, s16;
	v18 =	vnsel vm0, $0x0, v18  }
0x107: {  	s18 =	sor.u32 s18, s17;
	[tilespmem:$0x19120] =	vst v18  }
0x108: {  	s17 =	simm.s32 $0x200;
	v19 =	vimm.s32 $0x0;
	v20 =	vld [tilespmem:s18+$0x830]  }
.LBB2_40:
0x109: {  	p0 =	sne.s32 s17, $0x18E00  }
.Ltmp19:
0x10a: {  	_ = 	snop;
	(pc) =	sbr.rel @p0 .LBB2_40-.Ltmp19, $4  }
0x10b: {  	s16 =	sadd.s32 $0x80, s16  }
0x10c: {  	s18 =	sand.u32 $0x1F000, s17;
	s19 =	sand.u32 $0x380, s16  }
0x10d: {  	s18 =	sor.u32 s19, s18  }
0x10e: {  	s17 =	sadd.s32 $0x200, s17;
	v19 =	vadd.s32 v19, v20;
	v20 =	vld [tilespmem:s18+$0x830]  }
0x10f: {  	_ =	sdelay $0x3  }
0x110: {  	v19 =	vadd.s32 v19, v20  }
0x111: {  	v19 =	vadd.s32 $0xFFFFFFFF, v19  }
0x112: {  	s16 =	simm.s32 $0x0;
	vm0 =	vgt.s32 v19, $0x0  }
0x113: {  	s17 =	sand.u32 $0x1F000, s16;
	s18 =	sand.u32 $0x380, s16;
	v19 =	vnsel vm0, $0x0, v19  }
0x114: {  	s18 =	sor.u32 s18, s17;
	[tilespmem:$0x19130] =	vst v19  }
0x115: {  	s17 =	simm.s32 $0x200;
	v20 =	vimm.s32 $0x0;
	v21 =	vld [tilespmem:s18+$0x840]  }
.LBB2_42:
0x116: {  	p0 =	sne.s32 s17, $0x18E00  }
.Ltmp20:
0x117: {  	_ = 	snop;
	(pc) =	sbr.rel @p0 .LBB2_42-.Ltmp20, $4  }
0x118: {  	s16 =	sadd.s32 $0x80, s16  }
0x119: {  	s18 =	sand.u32 $0x1F000, s17;
	s19 =	sand.u32 $0x380, s16  }
0x11a: {  	s18 =	sor.u32 s19, s18  }
0x11b: {  	s17 =	sadd.s32 $0x200, s17;
	v20 =	vadd.s32 v20, v21;
	v21 =	vld [tilespmem:s18+$0x840]  }
0x11c: {  	_ =	sdelay $0x3  }
0x11d: {  	v20 =	vadd.s32 v20, v21  }
0x11e: {  	v20 =	vadd.s32 $0xFFFFFFFF, v20  }
0x11f: {  	s16 =	simm.s32 $0x0;
	vm0 =	vgt.s32 v20, $0x0  }
0x120: {  	s17 =	sand.u32 $0x1F000, s16;
	s18 =	sand.u32 $0x380, s16;
	v20 =	vnsel vm0, $0x0, v20  }
0x121: {  	s18 =	sor.u32 s18, s17;
	[tilespmem:$0x19140] =	vst v20  }
0x122: {  	s17 =	simm.s32 $0x200;
	v21 =	vimm.s32 $0x0;
	v22 =	vld [tilespmem:s18+$0x850]  }
.LBB2_44:
0x123: {  	p0 =	sne.s32 s17, $0x18E00  }
.Ltmp21:
0x124: {  	_ = 	snop;
	(pc) =	sbr.rel @p0 .LBB2_44-.Ltmp21, $4  }
0x125: {  	s16 =	sadd.s32 $0x80, s16  }
0x126: {  	s18 =	sand.u32 $0x1F000, s17;
	s19 =	sand.u32 $0x380, s16  }
0x127: {  	s18 =	sor.u32 s19, s18  }
0x128: {  	s17 =	sadd.s32 $0x200, s17;
	v21 =	vadd.s32 v21, v22;
	v22 =	vld [tilespmem:s18+$0x850]  }
0x129: {  	_ =	sdelay $0x3  }
0x12a: {  	v21 =	vadd.s32 v21, v22  }
0x12b: {  	v21 =	vadd.s32 $0xFFFFFFFF, v21  }
0x12c: {  	s16 =	simm.s32 $0x0;
	vm0 =	vgt.s32 v21, $0x0  }
0x12d: {  	s17 =	sand.u32 $0x1F000, s16;
	s18 =	sand.u32 $0x380, s16;
	v21 =	vnsel vm0, $0x0, v21  }
0x12e: {  	s18 =	sor.u32 s18, s17;
	[tilespmem:$0x19150] =	vst v21  }
0x12f: {  	s17 =	simm.s32 $0x200;
	v22 =	vimm.s32 $0x0;
	v23 =	vld [tilespmem:s18+$0x860]  }
.LBB2_46:
0x130: {  	p0 =	sne.s32 s17, $0x18E00  }
.Ltmp22:
0x131: {  	_ = 	snop;
	(pc) =	sbr.rel @p0 .LBB2_46-.Ltmp22, $4  }
0x132: {  	s16 =	sadd.s32 $0x80, s16  }
0x133: {  	s18 =	sand.u32 $0x1F000, s17;
	s19 =	sand.u32 $0x380, s16  }
0x134: {  	s18 =	sor.u32 s19, s18  }
0x135: {  	s17 =	sadd.s32 $0x200, s17;
	v22 =	vadd.s32 v22, v23;
	v23 =	vld [tilespmem:s18+$0x860]  }
0x136: {  	_ =	sdelay $0x3  }
0x137: {  	v22 =	vadd.s32 v22, v23  }
0x138: {  	v22 =	vadd.s32 $0xFFFFFFFF, v22  }
0x139: {  	s16 =	simm.s32 $0x0;
	vm0 =	vgt.s32 v22, $0x0  }
0x13a: {  	s17 =	sand.u32 $0x1F000, s16;
	s18 =	sand.u32 $0x380, s16;
	v22 =	vnsel vm0, $0x0, v22  }
0x13b: {  	s18 =	sor.u32 s18, s17;
	[tilespmem:$0x19160] =	vst v22  }
0x13c: {  	s17 =	simm.s32 $0x200;
	v23 =	vimm.s32 $0x0;
	v24 =	vld [tilespmem:s18+$0x870]  }
.LBB2_48:
0x13d: {  	p0 =	sne.s32 s17, $0x18E00  }
.Ltmp23:
0x13e: {  	_ = 	snop;
	(pc) =	sbr.rel @p0 .LBB2_48-.Ltmp23, $4  }
0x13f: {  	s16 =	sadd.s32 $0x80, s16  }
0x140: {  	s18 =	sand.u32 $0x1F000, s17;
	s19 =	sand.u32 $0x380, s16  }
0x141: {  	s18 =	sor.u32 s19, s18  }
0x142: {  	s17 =	sadd.s32 $0x200, s17;
	v23 =	vadd.s32 v23, v24;
	v24 =	vld [tilespmem:s18+$0x870]  }
0x143: {  	_ =	sdelay $0x3  }
0x144: {  	v23 =	vadd.s32 v23, v24  }
0x145: {  	v23 =	vadd.s32 $0xFFFFFFFF, v23  }
0x146: {  	s16 =	simm.s32 $0x0;
	vm0 =	vgt.s32 v23, $0x0  }
0x147: {  	s17 =	sand.u32 $0x1F000, s16;
	s18 =	sand.u32 $0x380, s16;
	v23 =	vnsel vm0, $0x0, v23  }
0x148: {  	s18 =	sor.u32 s18, s17;
	[tilespmem:$0x19170] =	vst v23  }
0x149: {  	s17 =	simm.s32 $0x200;
	v24 =	vimm.s32 $0x0;
	v25 =	vld [tilespmem:s18+$0xC00]  }
.LBB2_50:
0x14a: {  	p0 =	sne.s32 s17, $0x18E00  }
.Ltmp24:
0x14b: {  	_ = 	snop;
	(pc) =	sbr.rel @p0 .LBB2_50-.Ltmp24, $4  }
0x14c: {  	s16 =	sadd.s32 $0x80, s16  }
0x14d: {  	s18 =	sand.u32 $0x1F000, s17;
	s19 =	sand.u32 $0x380, s16  }
0x14e: {  	s18 =	sor.u32 s19, s18  }
0x14f: {  	s17 =	sadd.s32 $0x200, s17;
	v24 =	vadd.s32 v24, v25;
	v25 =	vld [tilespmem:s18+$0xC00]  }
0x150: {  	_ =	sdelay $0x3  }
0x151: {  	v24 =	vadd.s32 v24, v25  }
0x152: {  	v24 =	vadd.s32 $0xFFFFFFFF, v24  }
0x153: {  	s16 =	simm.s32 $0x0;
	vm0 =	vgt.s32 v24, $0x0  }
0x154: {  	s17 =	sand.u32 $0x1F000, s16;
	s18 =	sand.u32 $0x380, s16;
	v24 =	vnsel vm0, $0x0, v24  }
0x155: {  	s18 =	sor.u32 s18, s17;
	[tilespmem:$0x19180] =	vst v24  }
0x156: {  	s17 =	simm.s32 $0x200;
	v25 =	vimm.s32 $0x0;
	v26 =	vld [tilespmem:s18+$0xC10]  }
.LBB2_52:
0x157: {  	p0 =	sne.s32 s17, $0x18E00  }
.Ltmp25:
0x158: {  	_ = 	snop;
	(pc) =	sbr.rel @p0 .LBB2_52-.Ltmp25, $4  }
0x159: {  	s16 =	sadd.s32 $0x80, s16  }
0x15a: {  	s18 =	sand.u32 $0x1F000, s17;
	s19 =	sand.u32 $0x380, s16  }
0x15b: {  	s18 =	sor.u32 s19, s18  }
0x15c: {  	s17 =	sadd.s32 $0x200, s17;
	v25 =	vadd.s32 v25, v26;
	v26 =	vld [tilespmem:s18+$0xC10]  }
0x15d: {  	_ =	sdelay $0x3  }
0x15e: {  	v25 =	vadd.s32 v25, v26  }
0x15f: {  	v25 =	vadd.s32 $0xFFFFFFFF, v25  }
0x160: {  	s16 =	simm.s32 $0x0;
	vm0 =	vgt.s32 v25, $0x0  }
0x161: {  	s17 =	sand.u32 $0x1F000, s16;
	s18 =	sand.u32 $0x380, s16;
	v25 =	vnsel vm0, $0x0, v25  }
0x162: {  	s18 =	sor.u32 s18, s17;
	[tilespmem:$0x19190] =	vst v25  }
0x163: {  	s17 =	simm.s32 $0x200;
	v26 =	vimm.s32 $0x0;
	v27 =	vld [tilespmem:s18+$0xC20]  }
.LBB2_54:
0x164: {  	p0 =	sne.s32 s17, $0x18E00  }
.Ltmp26:
0x165: {  	_ = 	snop;
	(pc) =	sbr.rel @p0 .LBB2_54-.Ltmp26, $4  }
0x166: {  	s16 =	sadd.s32 $0x80, s16  }
0x167: {  	s18 =	sand.u32 $0x1F000, s17;
	s19 =	sand.u32 $0x380, s16  }
0x168: {  	s18 =	sor.u32 s19, s18  }
0x169: {  	s17 =	sadd.s32 $0x200, s17;
	v26 =	vadd.s32 v26, v27;
	v27 =	vld [tilespmem:s18+$0xC20]  }
0x16a: {  	_ =	sdelay $0x3  }
0x16b: {  	v26 =	vadd.s32 v26, v27  }
0x16c: {  	v26 =	vadd.s32 $0xFFFFFFFF, v26  }
0x16d: {  	s16 =	simm.s32 $0x0;
	vm0 =	vgt.s32 v26, $0x0  }
0x16e: {  	s17 =	sand.u32 $0x1F000, s16;
	s18 =	sand.u32 $0x380, s16;
	v26 =	vnsel vm0, $0x0, v26  }
0x16f: {  	s18 =	sor.u32 s18, s17;
	[tilespmem:$0x191A0] =	vst v26  }
0x170: {  	s17 =	simm.s32 $0x200;
	v27 =	vimm.s32 $0x0;
	v28 =	vld [tilespmem:s18+$0xC30]  }
.LBB2_56:
0x171: {  	p0 =	sne.s32 s17, $0x18E00  }
.Ltmp27:
0x172: {  	_ = 	snop;
	(pc) =	sbr.rel @p0 .LBB2_56-.Ltmp27, $4  }
0x173: {  	s16 =	sadd.s32 $0x80, s16  }
0x174: {  	s18 =	sand.u32 $0x1F000, s17;
	s19 =	sand.u32 $0x380, s16  }
0x175: {  	s18 =	sor.u32 s19, s18  }
0x176: {  	s17 =	sadd.s32 $0x200, s17;
	v27 =	vadd.s32 v27, v28;
	v28 =	vld [tilespmem:s18+$0xC30]  }
0x177: {  	_ =	sdelay $0x3  }
0x178: {  	v27 =	vadd.s32 v27, v28  }
0x179: {  	v27 =	vadd.s32 $0xFFFFFFFF, v27  }
0x17a: {  	s16 =	simm.s32 $0x0;
	vm0 =	vgt.s32 v27, $0x0  }
0x17b: {  	s17 =	sand.u32 $0x1F000, s16;
	s18 =	sand.u32 $0x380, s16;
	v27 =	vnsel vm0, $0x0, v27  }
0x17c: {  	s18 =	sor.u32 s18, s17;
	[tilespmem:$0x191B0] =	vst v27  }
0x17d: {  	s17 =	simm.s32 $0x200;
	v28 =	vimm.s32 $0x0;
	v29 =	vld [tilespmem:s18+$0xC40]  }
.LBB2_58:
0x17e: {  	p0 =	sne.s32 s17, $0x18E00  }
.Ltmp28:
0x17f: {  	_ = 	snop;
	(pc) =	sbr.rel @p0 .LBB2_58-.Ltmp28, $4  }
0x180: {  	s16 =	sadd.s32 $0x80, s16  }
0x181: {  	s18 =	sand.u32 $0x1F000, s17;
	s19 =	sand.u32 $0x380, s16  }
0x182: {  	s18 =	sor.u32 s19, s18  }
0x183: {  	s17 =	sadd.s32 $0x200, s17;
	v28 =	vadd.s32 v28, v29;
	v29 =	vld [tilespmem:s18+$0xC40]  }
0x184: {  	_ =	sdelay $0x3  }
0x185: {  	v28 =	vadd.s32 v28, v29  }
0x186: {  	v28 =	vadd.s32 $0xFFFFFFFF, v28  }
0x187: {  	s16 =	simm.s32 $0x0;
	vm0 =	vgt.s32 v28, $0x0  }
0x188: {  	s17 =	sand.u32 $0x1F000, s16;
	s18 =	sand.u32 $0x380, s16;
	v28 =	vnsel vm0, $0x0, v28  }
0x189: {  	s18 =	sor.u32 s18, s17;
	[tilespmem:$0x191C0] =	vst v28  }
0x18a: {  	s17 =	simm.s32 $0x200;
	v29 =	vimm.s32 $0x0;
	v30 =	vld [tilespmem:s18+$0xC50]  }
.LBB2_60:
0x18b: {  	p0 =	sne.s32 s17, $0x18E00  }
.Ltmp29:
0x18c: {  	_ = 	snop;
	(pc) =	sbr.rel @p0 .LBB2_60-.Ltmp29, $4  }
0x18d: {  	s16 =	sadd.s32 $0x80, s16  }
0x18e: {  	s18 =	sand.u32 $0x1F000, s17;
	s19 =	sand.u32 $0x380, s16  }
0x18f: {  	s18 =	sor.u32 s19, s18  }
0x190: {  	s17 =	sadd.s32 $0x200, s17;
	v29 =	vadd.s32 v29, v30;
	v30 =	vld [tilespmem:s18+$0xC50]  }
0x191: {  	_ =	sdelay $0x3  }
0x192: {  	v29 =	vadd.s32 v29, v30  }
0x193: {  	v29 =	vadd.s32 $0xFFFFFFFF, v29  }
0x194: {  	s16 =	simm.s32 $0x0;
	vm0 =	vgt.s32 v29, $0x0  }
0x195: {  	s17 =	sand.u32 $0x1F000, s16;
	s18 =	sand.u32 $0x380, s16;
	v29 =	vnsel vm0, $0x0, v29  }
0x196: {  	s18 =	sor.u32 s18, s17;
	[tilespmem:$0x191D0] =	vst v29  }
0x197: {  	s17 =	simm.s32 $0x200;
	v30 =	vimm.s32 $0x0;
	v31 =	vld [tilespmem:s18+$0xC60]  }
.LBB2_62:
0x198: {  	p0 =	sne.s32 s17, $0x18E00  }
.Ltmp30:
0x199: {  	_ = 	snop;
	(pc) =	sbr.rel @p0 .LBB2_62-.Ltmp30, $4  }
0x19a: {  	s16 =	sadd.s32 $0x80, s16  }
0x19b: {  	s18 =	sand.u32 $0x1F000, s17;
	s19 =	sand.u32 $0x380, s16  }
0x19c: {  	s18 =	sor.u32 s19, s18  }
0x19d: {  	s17 =	sadd.s32 $0x200, s17;
	v30 =	vadd.s32 v30, v31;
	v31 =	vld [tilespmem:s18+$0xC60]  }
0x19e: {  	_ =	sdelay $0x3  }
0x19f: {  	v30 =	vadd.s32 v30, v31  }
0x1a0: {  	v30 =	vadd.s32 $0xFFFFFFFF, v30  }
0x1a1: {  	s16 =	simm.s32 $0x0;
	vm0 =	vgt.s32 v30, $0x0  }
0x1a2: {  	s17 =	sand.u32 $0x1F000, s16;
	s18 =	sand.u32 $0x380, s16;
	v30 =	vnsel vm0, $0x0, v30  }
0x1a3: {  	s18 =	sor.u32 s18, s17;
	[tilespmem:$0x191E0] =	vst v30  }
0x1a4: {  	s17 =	simm.s32 $0x200;
	v31 =	vimm.s32 $0x0;
	v32 =	vld [tilespmem:s18+$0xC70]  }
.LBB2_64:
0x1a5: {  	p0 =	sne.s32 s17, $0x18E00  }
.Ltmp31:
0x1a6: {  	_ = 	snop;
	(pc) =	sbr.rel @p0 .LBB2_64-.Ltmp31, $4  }
0x1a7: {  	s16 =	sadd.s32 $0x80, s16  }
0x1a8: {  	s18 =	sand.u32 $0x1F000, s17;
	s19 =	sand.u32 $0x380, s16  }
0x1a9: {  	s18 =	sor.u32 s19, s18  }
0x1aa: {  	s17 =	sadd.s32 $0x200, s17;
	v31 =	vadd.s32 v31, v32;
	v32 =	vld [tilespmem:s18+$0xC70]  }
0x1ab: {  	v33 =	vmin.u32 v0, v1;
	v61 =	vmax.u32 v0, v1  }
0x1ac: {  	v33 =	vmin.u32 v33, v2;
	v0 =	vmax.u32 v61, v2  }
0x1ad: {  	v62 =	vmin.u32 v33, v3;
	v0 =	vmax.u32 v0, v3  }
0x1ae: {  	v1 =	vmin.u32 v62, v4;
	v0 =	vmax.u32 v0, v4  }
0x1af: {  	v1 =	vmin.u32 v1, v5;
	v0 =	vmax.u32 v0, v5  }
0x1b0: {  	v1 =	vmin.u32 v1, v6;
	v0 =	vmax.u32 v0, v6  }
0x1b1: {  	v1 =	vmin.u32 v1, v7;
	v0 =	vmax.u32 v0, v7  }
0x1b2: {  	v1 =	vmin.u32 v1, v8;
	v0 =	vmax.u32 v0, v8  }
0x1b3: {  	v1 =	vmin.u32 v1, v9;
	v0 =	vmax.u32 v0, v9  }
0x1b4: {  	v1 =	vmin.u32 v1, v10;
	v0 =	vmax.u32 v0, v10  }
0x1b5: {  	v1 =	vmin.u32 v1, v11;
	v0 =	vmax.u32 v0, v11  }
0x1b6: {  	v1 =	vmin.u32 v1, v12;
	v0 =	vmax.u32 v0, v12  }
0x1b7: {  	v1 =	vmin.u32 v1, v13;
	v0 =	vmax.u32 v0, v13  }
0x1b8: {  	v1 =	vmin.u32 v1, v14;
	v0 =	vmax.u32 v0, v14  }
0x1b9: {  	v1 =	vmin.u32 v1, v15;
	v0 =	vmax.u32 v0, v15  }
0x1ba: {  	v1 =	vmin.u32 v1, v16;
	v0 =	vmax.u32 v0, v16  }
0x1bb: {  	v1 =	vmin.u32 v1, v17;
	v0 =	vmax.u32 v0, v17  }
0x1bc: {  	v1 =	vmin.u32 v1, v18;
	v0 =	vmax.u32 v0, v18  }
0x1bd: {  	v1 =	vmin.u32 v1, v19;
	v0 =	vmax.u32 v0, v19  }
0x1be: {  	v1 =	vmin.u32 v1, v20;
	v0 =	vmax.u32 v0, v20  }
0x1bf: {  	v1 =	vmin.u32 v1, v21;
	v0 =	vmax.u32 v0, v21  }
0x1c0: {  	v1 =	vmin.u32 v1, v22;
	v0 =	vmax.u32 v0, v22  }
0x1c1: {  	v1 =	vmin.u32 v1, v23;
	v0 =	vmax.u32 v0, v23  }
0x1c2: {  	v1 =	vmin.u32 v1, v24;
	v0 =	vmax.u32 v0, v24  }
0x1c3: {  	v1 =	vmin.u32 v1, v25;
	v0 =	vmax.u32 v0, v25  }
0x1c4: {  	v1 =	vmin.u32 v1, v26;
	v0 =	vmax.u32 v0, v26  }
0x1c5: {  	v63 =	vadd.s32 v31, v32;
	v1 =	vmin.u32 v1, v27;
	v0 =	vmax.u32 v0, v27  }
0x1c6: {  	v2 =	vadd.s32 $0xFFFFFFFF, v63;
	v1 =	vmin.u32 v1, v28;
	v0 =	vmax.u32 v0, v28  }
0x1c7: {  	vm0 =	vgt.s32 v2, $0x0;
	v1 =	vmin.u32 v1, v29;
	v0 =	vmax.u32 v0, v29  }
0x1c8: {  	v2 =	vnsel vm0, $0x0, v2;
	v1 =	vmin.u32 v1, v30;
	v0 =	vmax.u32 v0, v30  }
0x1c9: {  	[tilespmem:$0x191F0] =	vst v2;
	v1 =	vmin.u32 v1, v2;
	v0 =	vmax.u32 v0, v2  }
0x1ca: {  	v1 =	vmin.u32 v1, $0xC7;
	[tilespmem:$0x19280] =	vst v0  }
0x1cb: {  	[tilespmem:$0x19200] =	vst v1  }
0x1cc: {  	[hbm4b:s5+s2] =	stream.linear.scatter [tilespmem:s11], [sflag:$0x2], $0x200, $0x38;
	[tilespmem:$0x19300] =	vst v63  }
0x1cd: {  	_ =	swait.ge [sflag:s12], $0x200  }
0x1ce: {  	[sflag:s12] =	ssyncset.done $0x0  }
0x1cf: {  	[sflag:s12] =	ssyncadd.s32 $0xFFFFFE00  }
0x1d0: {  	[hbm4b:s3+s2] =	stream.linear.scatter [tilespmem:s13], [sflag:$0x2], $0x10, $0x38;
	[tilespmem:$0x19300] =	vst v63  }
0x1d1: {  	s15 =	sadd.s32 $0x1, s15;
	_ =	swait.ge [sflag:s12], $0x10  }
0x1d2: {  	p0 =	sne.s32 s15, s7;
	[sflag:s12] =	ssyncset.done $0x0  }
.Ltmp32:
0x1d3: {  	[sflag:s12] =	ssyncadd.s32 $0xFFFFFFF0;
	(pc) =	sbr.rel @p0 .LBB2_1-.Ltmp32, $4  }
0x1d4: {  	[hbm4b:s6+s2] =	stream.linear.scatter [tilespmem:s14], [sflag:$0x2], $0x10, $0x38;
	[tilespmem:$0x19300] =	vst v63  }
0x1d5: {  	_ =	swait.ge [sflag:s12], $0x10  }
0x1d6: {  	[sflag:s12] =	ssyncset.done $0x0  }
0x1d7: {  	[sflag:s12] =	ssyncadd.s32 $0xFFFFFFF0  }
0x1d8: {  	_ =	sfence.sel $0x180000  }
0x1d9: {  	[bflag:$0x0] =	sbarrier.arrive $0xFFFF  }
0x1da: {  	p0 =	sne.s32 s1, $0x0;
	_ =	strace $0x90000047  }
0x1db: {  	s0 =	sadd.s32 @!p0 $0x100000, s0;
	[bflag:$0x2] =	sbarrier.arrive $0xFFFF  }
0x1dc: {  	[sflag:s0] =	ssyncadd.tile.s32 @!p0 $0x1;
	_ =	shalt  }
.Lfunc_end2:
_tile_overlayer_lowered:
.L_overlay_start_2:
0x1dd: {  	(tag) =	ssettag $0x2  }
0x1de: {  	s0 =	rddreg [dreg:$0x0];
	s2 =	stileid.u32  }
0x1df: {  	s1 =	rddreg [dreg:$0x1];
	p0 =	sne.s32 s2, $0x0  }
0x1e0: {  	s3 =	rddreg [dreg:$0x2];
	[bflag:$0x3] =	sbarrier.arrive $0xFFFF;
	s2 =	simm.s32 @!p0 $0x1C02  }
0x1e1: {  	[timem:s3], [sflag:s2] =	dma.local @!p0 [hbm:s0], s1  }
0x1e2: {  	s0 =	simm.s32 @!p0 $0x2  }
0x1e3: {  	_ =	swait.ge @!p0 [sflag:s0], s1  }
0x1e4: {  	s1 =	ssub.s32 @!p0 $0x0, s1;
	[sflag:s0] =	ssyncset.done @!p0 $0x0  }
0x1e5: {  	[sflag:s0] =	ssyncadd.s32 @!p0 s1  }
0x1e6: {  	[bflag:$0x3] =	sbarrier.arrive $0xFFFF  }
0x1e7: {  	_ =	shalt  }

</sc_bundles>
